<compile_context>
chip_gen: v7x
topology: tpu7x:2x2x1
jax: 0.10.2.dev20260603
libtpu: 0.0.44.dev20260713+nightly
codegen_flags: <defaults>
</compile_context>

<pallas_src>
import functools

import jax
import jax.numpy as jnp
from jax import lax
from jax.experimental import pallas as pl
from jax.experimental.pallas import tpu as pltpu
from jax.experimental.pallas import tpu_sc as plsc

N = 10000
D = 256
H = 128
E = 160000
NC = 2
NS = 16
CHUNK = 128
E_PAD = 163840
EPT = E_PAD // NS
NCHUNKS = EPT // CHUNK
EPW = E_PAD // (NS * NC)
ROWS_PER_TILE = 640
ACC_ROWS = ROWS_PER_TILE * NS
DEG_CHUNKS = EPW // CHUNK
NBLK = 10
BLK = N // NBLK

_mesh = plsc.VectorSubcoreMesh(
    core_axis_name="c", subcore_axis_name="s", num_cores=NC, num_subcores=NS)


def _deg_body(dst_hbm, zeros_hbm, ones_hbm, out_hbm, dst_v, ones_v, acc_sh,
              sem):
    c = lax.axis_index("c")
    s = lax.axis_index("s")
    wid = s * NC + c
    r0 = s * ROWS_PER_TILE
    pltpu.sync_copy(zeros_hbm.at[pl.ds(r0, ROWS_PER_TILE)],
                    acc_sh.at[pl.ds(r0, ROWS_PER_TILE)])
    pltpu.sync_copy(ones_hbm, ones_v)
    pltpu.sync_copy(dst_hbm.at[pl.ds(wid * DEG_CHUNKS, DEG_CHUNKS)], dst_v)
    plsc.subcore_barrier()

    def fire(i, carry):
        pltpu.async_copy(ones_v, acc_sh.at[dst_v.at[i]], sem, add=True)

        @pl.when(i >= 2)
        def _():
            pltpu.make_async_copy(ones_v, acc_sh.at[dst_v.at[i - 2]],
                                  sem).wait()

        return carry

    lax.fori_loop(0, DEG_CHUNKS, fire, 0)

    def drain(i, carry):
        pltpu.make_async_copy(ones_v, acc_sh.at[dst_v.at[i]], sem).wait()
        return carry

    lax.fori_loop(DEG_CHUNKS - 2, DEG_CHUNKS, drain, 0)
    plsc.subcore_barrier()
    pltpu.sync_copy(acc_sh.at[pl.ds(r0, ROWS_PER_TILE)],
                    out_hbm.at[c, pl.ds(r0, ROWS_PER_TILE)])


def _make_deg_kernel(interpret=False):
    return functools.partial(
        pl.kernel,
        out_type=jax.ShapeDtypeStruct((NC, ACC_ROWS, H), jnp.float32),
        mesh=_mesh,
        scratch_types=[
            pltpu.VMEM((DEG_CHUNKS, CHUNK), jnp.int32),
            pltpu.VMEM((CHUNK, H), jnp.float32),
            pltpu.VMEM_SHARED((ACC_ROWS, H), jnp.float32),
            pltpu.SemaphoreType.DMA,
        ],
        interpret=interpret,
    )(_deg_body)


SBLK = 16
NSB = NCHUNKS // SBLK


def _agg_body(g_hbm, src_hbm, dst_hbm, zeros_hbm, out_hbm,
              sg_v, dst_v, rows0, rows1, acc_sh, gs0, gs1, ss0, ss1):
    c = lax.axis_index("c")
    s = lax.axis_index("s")
    r0 = s * ROWS_PER_TILE
    pltpu.sync_copy(zeros_hbm.at[pl.ds(r0, ROWS_PER_TILE)],
                    acc_sh.at[pl.ds(r0, ROWS_PER_TILE)])
    row0 = s * NCHUNKS
    pltpu.sync_copy(dst_hbm.at[pl.ds(row0, NCHUNKS)], dst_v)
    half0 = c * N
    plsc.subcore_barrier()

    def g_start(k, i, buf, sem):
        del i
        pltpu.async_copy(g_hbm.at[sg_v.at[k]], buf, sem)

    def g_wait(k, i, buf, sem):
        del i
        pltpu.make_async_copy(g_hbm.at[sg_v.at[k]], buf, sem).wait()

    def s_start(i, buf, sem):
        pltpu.async_copy(buf, acc_sh.at[dst_v.at[i]], sem, add=True)

    def s_wait(i, buf, sem):
        pltpu.make_async_copy(buf, acc_sh.at[dst_v.at[i]], sem).wait()

    def superblock(sb, carry):
        pltpu.sync_copy(src_hbm.at[pl.ds(row0 + sb * SBLK, SBLK)], sg_v)

        def fill(k, carry):
            for j in range(CHUNK // 16):
                sl = pl.ds(j * 16, 16)
                sg_v[k, sl] = sg_v[k, sl] + half0
            return carry

        lax.fori_loop(0, SBLK, fill, 0)

        base = sb * SBLK
        g_start(0, base, rows0, gs0)

        def pipe(k2, carry):
            k0 = k2 * 2
            k1 = k0 + 1
            g_wait(k0, base + k0, rows0, gs0)
            s_start(base + k0, rows0, ss0)

            @pl.when(k2 > 0)
            def _():
                s_wait(base + k1 - 2, rows1, ss1)

            g_start(k1, base + k1, rows1, gs1)
            g_wait(k1, base + k1, rows1, gs1)
            s_start(base + k1, rows1, ss1)
            s_wait(base + k0, rows0, ss0)

            @pl.when(k2 < SBLK // 2 - 1)
            def _():
                g_start(k0 + 2, base + k0 + 2, rows0, gs0)

            return carry

        lax.fori_loop(0, SBLK // 2, pipe, 0)
        s_wait(base + SBLK - 1, rows1, ss1)
        return carry

    lax.fori_loop(0, NSB, superblock, 0)
    plsc.subcore_barrier()
    pltpu.sync_copy(acc_sh.at[pl.ds(r0, ROWS_PER_TILE)],
                    out_hbm.at[c, pl.ds(r0, ROWS_PER_TILE)])


def _make_agg_kernel(interpret=False):
    return functools.partial(
        pl.kernel,
        out_type=jax.ShapeDtypeStruct((NC, ACC_ROWS, H), jnp.float32),
        mesh=_mesh,
        scratch_types=[
            pltpu.VMEM((SBLK, CHUNK), jnp.int32),
            pltpu.VMEM((NCHUNKS, CHUNK), jnp.int32),
            pltpu.VMEM((CHUNK, H), jnp.float32),
            pltpu.VMEM((CHUNK, H), jnp.float32),
            pltpu.VMEM_SHARED((ACC_ROWS, H), jnp.float32),
            pltpu.SemaphoreType.DMA,
            pltpu.SemaphoreType.DMA,
            pltpu.SemaphoreType.DMA,
            pltpu.SemaphoreType.DMA,
        ],
        interpret=interpret,
    )(_agg_body)


_deg_kernel = _make_deg_kernel()
_agg_kernel = _make_agg_kernel()


def _leaky(z):
    return jnp.where(z > 0, z, 0.01 * z)


def _prep_body(x_ref, w_ref, dp0_ref, dp1_ref, g_ref, dinv_ref):
    d = lax.rsqrt(dp0_ref[...] + dp1_ref[...] + 1.0)
    h = jnp.dot(x_ref[...], w_ref[...], preferred_element_type=jnp.float32)
    g = h * d
    g_ref[0] = g[:, :H]
    g_ref[1] = g[:, H:]
    dinv_ref[...] = d


_prep_call = pl.pallas_call(
    _prep_body,
    grid=(NBLK,),
    in_specs=[
        pl.BlockSpec((BLK, D), lambda i: (i, 0)),
        pl.BlockSpec((D, D), lambda i: (0, 0)),
        pl.BlockSpec((BLK, 1), lambda i: (i, 0)),
        pl.BlockSpec((BLK, 1), lambda i: (i, 0)),
    ],
    out_specs=[
        pl.BlockSpec((NC, BLK, H), lambda i: (0, i, 0)),
        pl.BlockSpec((BLK, 1), lambda i: (i, 0)),
    ],
    out_shape=[
        jax.ShapeDtypeStruct((NC, N, H), jnp.float32),
        jax.ShapeDtypeStruct((N, 1), jnp.float32),
    ],
)


def _mid_body(s_ref, g_ref, dinv_ref, b_ref, w_ref, o_ref):
    d = dinv_ref[...]
    b = b_ref[...]
    a0 = _leaky(d * (s_ref[0] + g_ref[0]) + b[:, :H])
    a1 = _leaky(d * (s_ref[1] + g_ref[1]) + b[:, H:])
    w = w_ref[...]
    h2 = (jnp.dot(a0, w[:H, :], preferred_element_type=jnp.float32)
          + jnp.dot(a1, w[H:, :], preferred_element_type=jnp.float32))
    g2 = h2 * d
    o_ref[0] = g2[:, :H]
    o_ref[1] = g2[:, H:]


_mid_call = pl.pallas_call(
    _mid_body,
    grid=(NBLK,),
    in_specs=[
        pl.BlockSpec((NC, BLK, H), lambda i: (0, i, 0)),
        pl.BlockSpec((NC, BLK, H), lambda i: (0, i, 0)),
        pl.BlockSpec((BLK, 1), lambda i: (i, 0)),
        pl.BlockSpec((1, D), lambda i: (0, 0)),
        pl.BlockSpec((D, D), lambda i: (0, 0)),
    ],
    out_specs=pl.BlockSpec((NC, BLK, H), lambda i: (0, i, 0)),
    out_shape=jax.ShapeDtypeStruct((NC, N, H), jnp.float32),
)


def _final_body(s_ref, g_ref, dinv_ref, b_ref, o_ref):
    d = dinv_ref[...]
    b = b_ref[...]
    o_ref[:, :H] = _leaky(d * (s_ref[0] + g_ref[0]) + b[:, :H])
    o_ref[:, H:] = _leaky(d * (s_ref[1] + g_ref[1]) + b[:, H:])


_final_call = pl.pallas_call(
    _final_body,
    grid=(NBLK,),
    in_specs=[
        pl.BlockSpec((NC, BLK, H), lambda i: (0, i, 0)),
        pl.BlockSpec((NC, BLK, H), lambda i: (0, i, 0)),
        pl.BlockSpec((BLK, 1), lambda i: (i, 0)),
        pl.BlockSpec((1, D), lambda i: (0, 0)),
    ],
    out_specs=pl.BlockSpec((BLK, D), lambda i: (i, 0)),
    out_shape=jax.ShapeDtypeStruct((N, D), jnp.float32),
)


def kernel(x, edge_index, W1, b1, W2, b2):
    src = edge_index[0].astype(jnp.int32)
    dst = edge_index[1].astype(jnp.int32)
    npad = E_PAD - E
    src_p = jnp.concatenate([src, jnp.zeros((npad,), jnp.int32)])
    dst_p = jnp.concatenate(
        [dst, N + (jnp.arange(npad, dtype=jnp.int32) % (ACC_ROWS - N))])
    zeros_h = jnp.zeros((ACC_ROWS, H), jnp.float32)
    src2d = src_p.reshape(E_PAD // CHUNK, CHUNK)
    dst2d = dst_p.reshape(E_PAD // CHUNK, CHUNK)

    ones_h = jnp.ones((CHUNK, H), jnp.float32)
    degp = _deg_kernel(dst2d, zeros_h, ones_h)
    dp0 = degp[0, :N, 0:1]
    dp1 = degp[1, :N, 0:1]

    g1, dinv = _prep_call(x, W1, dp0, dp1)
    S1 = _agg_kernel(g1.reshape(NC * N, H), src2d, dst2d, zeros_h)
    g2 = _mid_call(S1, g1, dinv, b1.reshape(1, D), W2)
    S2 = _agg_kernel(g2.reshape(NC * N, H), src2d, dst2d, zeros_h)
    out = _final_call(S2, g2, dinv, b2.reshape(1, D))
    return out

# --- scband reference (transcript-rebuilt; emitter-appended) ---
"""Pipeline reference for scband-gcn-32624571580487 (READ-ONLY COPY).

The authoritative reference and input builder live on the scoring server;
editing this copy changes nothing except your own understanding.
"""

import jax, jax.numpy as jnp
import numpy as np

N_NODES = 10000
D_FEAT = 256
N_EDGES = 160000


def gcn_conv(x, edge_index, W, b, num_nodes):
    # torch_geometric GCNConv semantics: add self-loops, symmetric normalization,
    # linear transform, scatter-add aggregation, bias.
    src = edge_index[0]
    dst = edge_index[1]
    loop = jnp.arange(num_nodes, dtype=edge_index.dtype)
    src = jnp.concatenate([src, loop])
    dst = jnp.concatenate([dst, loop])
    deg = jnp.zeros((num_nodes,), dtype=x.dtype).at[dst].add(1.0)
    dinv = jnp.where(deg > 0, deg ** -0.5, 0.0)
    norm = dinv[src] * dinv[dst]
    h = x @ W  # linear transform
    msg = jnp.take(h, src, axis=0) * norm[:, None]
    out = jnp.zeros((num_nodes, h.shape[1]), dtype=x.dtype).at[dst].add(msg)
    return out + b


def setup_inputs(seed: int = 0) -> dict:
    key = jax.random.key(seed)
    k1, k2, k3, k4, k5 = jax.random.split(key, 5)
    x = jax.random.normal(k1, (N_NODES, D_FEAT), dtype=jnp.float32)
    edge_index = jax.random.randint(k2, (2, N_EDGES), 0, N_NODES, dtype=jnp.int64)
    scale = 1.0 / np.sqrt(D_FEAT)
    W1 = jax.random.uniform(k3, (D_FEAT, D_FEAT), dtype=jnp.float32, minval=-scale, maxval=scale)
    b1 = jnp.zeros((D_FEAT,), dtype=jnp.float32)
    W2 = jax.random.uniform(k4, (D_FEAT, D_FEAT), dtype=jnp.float32, minval=-scale, maxval=scale)
    b2 = jnp.zeros((D_FEAT,), dtype=jnp.float32)
    return {"x": x, "edge_index": edge_index, "W1": W1, "b1": b1, "W2": W2, "b2": b2}


def reference(x, edge_index, W1, b1, W2, b2):
    h = gcn_conv(x, edge_index, W1, b1, N_NODES)
    h = jax.nn.leaky_relu(h, negative_slope=0.01)
    h = gcn_conv(h, edge_index, W2, b2, N_NODES)
    h = jax.nn.leaky_relu(h, negative_slope=0.01)
    return h

if __name__ == "__main__":
    import jax
    _d = setup_inputs()
    print(jax.jit(kernel)(*tuple(_d.values())))

</pallas_src>

<mosaic_0001>
#map = affine_map<(d0, d1) -> (0, 0)>
#map1 = affine_map<(d0, d1) -> (0, 0, 0)>
module attributes {stable_mosaic.version = 14 : i64} {
  func.func @_deg_body(%arg0: i32, %arg1: i32, %arg2: memref<1280x128xi32, #tpu.memory_space<hbm>>, %arg3: memref<10240x128xf32, #tpu.memory_space<hbm>>, %arg4: memref<128x128xf32, #tpu.memory_space<hbm>>, %arg5: memref<2x10240x128xf32, #tpu.memory_space<hbm>>, %arg6: memref<40x128xi32, #tpu.memory_space<vmem>>, %arg7: memref<128x128xf32, #tpu.memory_space<vmem>>, %arg8: memref<10240x128xf32, #tpu.memory_space<vmem_shared>>, %arg9: memref<!tpu.dma_semaphore, #tpu.memory_space<semaphore_mem>>) attributes {dimension_semantics = [#tpu.dimension_semantics<core_parallel>, #tpu.dimension_semantics<subcore_parallel>], iteration_bounds = array<i64: 2, 16>, scalar_prefetch = 0 : i64, scratch_operands = 4 : i64, tpu.core_type = #tpu.core_type<sc_vector_subcore>, window_params = [{transform_indices = #map}, {transform_indices = #map}, {transform_indices = #map}, {transform_indices = #map1}]} {
    %mul3A = arith.constant 2 : i32
    %mul3A_0 = arith.muli %arg1, %mul3A : i32
    %add3A = arith.addi %mul3A_0, %arg0 : i32
    %mul3A_1 = arith.constant 640 : i32
    %mul3A_2 = arith.muli %arg1, %mul3A_1 : i32
    "tpu.region"() ({
      %run_scoped3A = tpu.sem_alloc : memref<!tpu.dma_semaphore, #tpu.memory_space<semaphore_mem>>
      %dma_start3A = arith.constant 0 : i32
      %dma_start3A_17 = tpu.memref_slice %arg8[%mul3A_2, %dma_start3A] : memref<10240x128xf32, #tpu.memory_space<vmem_shared>> -> memref<640x128xf32, #tpu.memory_space<vmem_shared>>
      %dma_start3A_18 = arith.constant 0 : i32
      %dma_start3A_19 = tpu.memref_slice %arg3[%mul3A_2, %dma_start3A_18] : memref<10240x128xf32, #tpu.memory_space<hbm>> -> memref<640x128xf32, #tpu.memory_space<hbm>>
      tpu.enqueue_dma source(%dma_start3A_19 : memref<640x128xf32, #tpu.memory_space<hbm>>) target(%dma_start3A_17 : memref<640x128xf32, #tpu.memory_space<vmem_shared>>) target_semaphore(%run_scoped3A : memref<!tpu.dma_semaphore, #tpu.memory_space<semaphore_mem>>)
      %dma_wait3A = arith.constant 0 : i32
      %dma_wait3A_20 = tpu.memref_slice %arg8[%mul3A_2, %dma_wait3A] : memref<10240x128xf32, #tpu.memory_space<vmem_shared>> -> memref<640x128xf32, #tpu.memory_space<vmem_shared>>
      %dma_wait3A_21 = arith.constant 0 : i32
      %dma_wait3A_22 = tpu.memref_slice %arg3[%mul3A_2, %dma_wait3A_21] : memref<10240x128xf32, #tpu.memory_space<hbm>> -> memref<640x128xf32, #tpu.memory_space<hbm>>
      tpu.wait_dma2 semaphore(%run_scoped3A : memref<!tpu.dma_semaphore, #tpu.memory_space<semaphore_mem>>) src(%dma_wait3A_22 : memref<640x128xf32, #tpu.memory_space<hbm>>) dst(%dma_wait3A_20 : memref<640x128xf32, #tpu.memory_space<vmem_shared>>)
      tpu.yield
    }) : () -> ()
    "tpu.region"() ({
      %run_scoped3A = tpu.sem_alloc : memref<!tpu.dma_semaphore, #tpu.memory_space<semaphore_mem>>
      tpu.enqueue_dma source(%arg4 : memref<128x128xf32, #tpu.memory_space<hbm>>) target(%arg7 : memref<128x128xf32, #tpu.memory_space<vmem>>) target_semaphore(%run_scoped3A : memref<!tpu.dma_semaphore, #tpu.memory_space<semaphore_mem>>)
      tpu.wait_dma2 semaphore(%run_scoped3A : memref<!tpu.dma_semaphore, #tpu.memory_space<semaphore_mem>>) src(%arg4 : memref<128x128xf32, #tpu.memory_space<hbm>>) dst(%arg7 : memref<128x128xf32, #tpu.memory_space<vmem>>)
      tpu.yield
    }) : () -> ()
    %mul3A_3 = arith.constant 40 : i32
    %mul3A_4 = arith.muli %add3A, %mul3A_3 : i32
    "tpu.region"() ({
      %run_scoped3A = tpu.sem_alloc : memref<!tpu.dma_semaphore, #tpu.memory_space<semaphore_mem>>
      %dma_start3A = arith.constant 0 : i32
      %dma_start3A_17 = tpu.memref_slice %arg2[%mul3A_4, %dma_start3A] : memref<1280x128xi32, #tpu.memory_space<hbm>> -> memref<40x128xi32, #tpu.memory_space<hbm>>
      %dma_start3A_18 = arith.constant 0 : i32
      %dma_start3A_19 = tpu.memref_slice %arg2[%mul3A_4, %dma_start3A_18] : memref<1280x128xi32, #tpu.memory_space<hbm>> -> memref<40x128xi32, #tpu.memory_space<hbm>>
      tpu.enqueue_dma source(%dma_start3A_19 : memref<40x128xi32, #tpu.memory_space<hbm>>) target(%arg6 : memref<40x128xi32, #tpu.memory_space<vmem>>) target_semaphore(%run_scoped3A : memref<!tpu.dma_semaphore, #tpu.memory_space<semaphore_mem>>)
      %dma_wait3A = arith.constant 0 : i32
      %dma_wait3A_20 = tpu.memref_slice %arg2[%mul3A_4, %dma_wait3A] : memref<1280x128xi32, #tpu.memory_space<hbm>> -> memref<40x128xi32, #tpu.memory_space<hbm>>
      %dma_wait3A_21 = arith.constant 0 : i32
      %dma_wait3A_22 = tpu.memref_slice %arg2[%mul3A_4, %dma_wait3A_21] : memref<1280x128xi32, #tpu.memory_space<hbm>> -> memref<40x128xi32, #tpu.memory_space<hbm>>
      tpu.wait_dma2 semaphore(%run_scoped3A : memref<!tpu.dma_semaphore, #tpu.memory_space<semaphore_mem>>) src(%dma_wait3A_22 : memref<40x128xi32, #tpu.memory_space<hbm>>) dst(%arg6 : memref<40x128xi32, #tpu.memory_space<vmem>>)
      tpu.yield
    }) : () -> ()
    %barrier3A = arith.constant 0 : index
    tpu.barrier barrier_id(%barrier3A)
    %scan3A = arith.constant 0 : i32
    %scan3A_5 = arith.constant 0 : i32
    %scan3A_6 = arith.constant 40 : i32
    %scan3A_7 = arith.addi %scan3A_5, %scan3A_6 : i32
    %scan3A_8 = arith.constant 1 : i32
    scf.for %scan3A_17 = %scan3A_5 to %scan3A_7 step %scan3A_8  : i32 {
      %dma_start3A = arith.constant 0 : i32
      %dma_start3A_18 = tpu.memref_slice %arg6[%scan3A_17, %dma_start3A] : memref<40x128xi32, #tpu.memory_space<vmem>> -> memref<1x128xi32, #tpu.memory_space<vmem>>
      %dma_start3A_19 = tpu.memref_squeeze %dma_start3A_18 : memref<1x128xi32, #tpu.memory_space<vmem>> -> memref<128xi32, #tpu.memory_space<vmem>>
      %dma_start3A_20 = arith.constant 0 : i32
      %dma_start3A_21 = arith.constant 0 : i32
      %dma_start3A_22 = tpu.memref_slice %arg8[%dma_start3A_20, %dma_start3A_21] : memref<10240x128xf32, #tpu.memory_space<vmem_shared>> -> memref<10240x128xf32, #tpu.memory_space<vmem_shared>>
      tpu.enqueue_indirect_dma source(%arg7 : memref<128x128xf32, #tpu.memory_space<vmem>>) target(%dma_start3A_22 : memref<10240x128xf32, #tpu.memory_space<vmem_shared>>) offsets(%dma_start3A_19 : memref<128xi32, #tpu.memory_space<vmem>>) semaphore(%arg9 : memref<!tpu.dma_semaphore, #tpu.memory_space<semaphore_mem>>) {add = true}
      %ge3A = arith.constant 2 : i32
      %ge3A_23 = arith.cmpi sge, %scan3A_17, %ge3A : i32
      %convert_element_type3A = arith.extui %ge3A_23 : i1 to i32
      %cond3A = arith.constant 0 : i32
      %cond3A_24 = arith.cmpi ne, %convert_element_type3A, %cond3A : i32
      scf.if %cond3A_24 {
        %sub3A = arith.constant 2 : i32
        %sub3A_25 = arith.subi %scan3A_17, %sub3A : i32
        %dma_wait3A = arith.constant 0 : i32
        %dma_wait3A_26 = tpu.memref_slice %arg6[%sub3A_25, %dma_wait3A] : memref<40x128xi32, #tpu.memory_space<vmem>> -> memref<1x128xi32, #tpu.memory_space<vmem>>
        %dma_wait3A_27 = tpu.memref_squeeze %dma_wait3A_26 : memref<1x128xi32, #tpu.memory_space<vmem>> -> memref<128xi32, #tpu.memory_space<vmem>>
        %dma_wait3A_28 = arith.constant 0 : i32
        %dma_wait3A_29 = arith.constant 0 : i32
        %dma_wait3A_30 = tpu.memref_slice %arg8[%dma_wait3A_28, %dma_wait3A_29] : memref<10240x128xf32, #tpu.memory_space<vmem_shared>> -> memref<10240x128xf32, #tpu.memory_space<vmem_shared>>
        tpu.wait_indirect_dma semaphore(%arg9 : memref<!tpu.dma_semaphore, #tpu.memory_space<semaphore_mem>>) src(%arg7 : memref<128x128xf32, #tpu.memory_space<vmem>>) dst(%dma_wait3A_30 : memref<10240x128xf32, #tpu.memory_space<vmem_shared>>)
      } else {
      }
    }
    %scan3A_9 = arith.constant 40 : i32
    %scan3A_10 = arith.constant 0 : i32
    %scan3A_11 = arith.constant 38 : i32
    %scan3A_12 = arith.constant 2 : i32
    %scan3A_13 = arith.addi %scan3A_11, %scan3A_12 : i32
    %scan3A_14 = arith.constant 1 : i32
    scf.for %scan3A_17 = %scan3A_11 to %scan3A_13 step %scan3A_14  : i32 {
      %dma_wait3A = arith.constant 0 : i32
      %dma_wait3A_18 = tpu.memref_slice %arg6[%scan3A_17, %dma_wait3A] : memref<40x128xi32, #tpu.memory_space<vmem>> -> memref<1x128xi32, #tpu.memory_space<vmem>>
      %dma_wait3A_19 = tpu.memref_squeeze %dma_wait3A_18 : memref<1x128xi32, #tpu.memory_space<vmem>> -> memref<128xi32, #tpu.memory_space<vmem>>
      %dma_wait3A_20 = arith.constant 0 : i32
      %dma_wait3A_21 = arith.constant 0 : i32
      %dma_wait3A_22 = tpu.memref_slice %arg8[%dma_wait3A_20, %dma_wait3A_21] : memref<10240x128xf32, #tpu.memory_space<vmem_shared>> -> memref<10240x128xf32, #tpu.memory_space<vmem_shared>>
      tpu.wait_indirect_dma semaphore(%arg9 : memref<!tpu.dma_semaphore, #tpu.memory_space<semaphore_mem>>) src(%arg7 : memref<128x128xf32, #tpu.memory_space<vmem>>) dst(%dma_wait3A_22 : memref<10240x128xf32, #tpu.memory_space<vmem_shared>>)
    }
    %scan3A_15 = arith.constant 2 : i32
    %barrier3A_16 = arith.constant 0 : index
    tpu.barrier barrier_id(%barrier3A_16)
    "tpu.region"() ({
      %run_scoped3A = tpu.sem_alloc : memref<!tpu.dma_semaphore, #tpu.memory_space<semaphore_mem>>
      %dma_start3A = arith.constant 0 : i32
      %dma_start3A_17 = tpu.memref_slice %arg5[%arg0, %mul3A_2, %dma_start3A] : memref<2x10240x128xf32, #tpu.memory_space<hbm>> -> memref<1x640x128xf32, #tpu.memory_space<hbm>>
      %dma_start3A_18 = tpu.memref_squeeze %dma_start3A_17 : memref<1x640x128xf32, #tpu.memory_space<hbm>> -> memref<640x128xf32, #tpu.memory_space<hbm>>
      %dma_start3A_19 = arith.constant 0 : i32
      %dma_start3A_20 = tpu.memref_slice %arg8[%mul3A_2, %dma_start3A_19] : memref<10240x128xf32, #tpu.memory_space<vmem_shared>> -> memref<640x128xf32, #tpu.memory_space<vmem_shared>>
      tpu.enqueue_dma source(%dma_start3A_20 : memref<640x128xf32, #tpu.memory_space<vmem_shared>>) target(%dma_start3A_18 : memref<640x128xf32, #tpu.memory_space<hbm>>) target_semaphore(%run_scoped3A : memref<!tpu.dma_semaphore, #tpu.memory_space<semaphore_mem>>)
      %dma_wait3A = arith.constant 0 : i32
      %dma_wait3A_21 = tpu.memref_slice %arg5[%arg0, %mul3A_2, %dma_wait3A] : memref<2x10240x128xf32, #tpu.memory_space<hbm>> -> memref<1x640x128xf32, #tpu.memory_space<hbm>>
      %dma_wait3A_22 = tpu.memref_squeeze %dma_wait3A_21 : memref<1x640x128xf32, #tpu.memory_space<hbm>> -> memref<640x128xf32, #tpu.memory_space<hbm>>
      %dma_wait3A_23 = arith.constant 0 : i32
      %dma_wait3A_24 = tpu.memref_slice %arg8[%mul3A_2, %dma_wait3A_23] : memref<10240x128xf32, #tpu.memory_space<vmem_shared>> -> memref<640x128xf32, #tpu.memory_space<vmem_shared>>
      tpu.wait_dma2 semaphore(%run_scoped3A : memref<!tpu.dma_semaphore, #tpu.memory_space<semaphore_mem>>) src(%dma_wait3A_24 : memref<640x128xf32, #tpu.memory_space<vmem_shared>>) dst(%dma_wait3A_22 : memref<640x128xf32, #tpu.memory_space<hbm>>)
      tpu.yield
    }) : () -> ()
    return
  }
}

#map = affine_map<(d0, d1) -> (0, 0)>
#map1 = affine_map<(d0, d1) -> (0, 0, 0)>
module attributes {stable_mosaic.version = 14 : i64} {
  func.func @_agg_body(%arg0: i32, %arg1: i32, %arg2: memref<20000x128xf32, #tpu.memory_space<hbm>>, %arg3: memref<1280x128xi32, #tpu.memory_space<hbm>>, %arg4: memref<1280x128xi32, #tpu.memory_space<hbm>>, %arg5: memref<10240x128xf32, #tpu.memory_space<hbm>>, %arg6: memref<2x10240x128xf32, #tpu.memory_space<hbm>>, %arg7: memref<16x128xi32, #tpu.memory_space<vmem>>, %arg8: memref<80x128xi32, #tpu.memory_space<vmem>>, %arg9: memref<128x128xf32, #tpu.memory_space<vmem>>, %arg10: memref<128x128xf32, #tpu.memory_space<vmem>>, %arg11: memref<10240x128xf32, #tpu.memory_space<vmem_shared>>, %arg12: memref<!tpu.dma_semaphore, #tpu.memory_space<semaphore_mem>>, %arg13: memref<!tpu.dma_semaphore, #tpu.memory_space<semaphore_mem>>, %arg14: memref<!tpu.dma_semaphore, #tpu.memory_space<semaphore_mem>>, %arg15: memref<!tpu.dma_semaphore, #tpu.memory_space<semaphore_mem>>) attributes {dimension_semantics = [#tpu.dimension_semantics<core_parallel>, #tpu.dimension_semantics<subcore_parallel>], iteration_bounds = array<i64: 2, 16>, scalar_prefetch = 0 : i64, scratch_operands = 9 : i64, tpu.core_type = #tpu.core_type<sc_vector_subcore>, window_params = [{transform_indices = #map}, {transform_indices = #map}, {transform_indices = #map}, {transform_indices = #map}, {transform_indices = #map1}]} {
    %mul3A = arith.constant 640 : i32
    %mul3A_0 = arith.muli %arg1, %mul3A : i32
    "tpu.region"() ({
      %run_scoped3A = tpu.sem_alloc : memref<!tpu.dma_semaphore, #tpu.memory_space<semaphore_mem>>
      %dma_start3A = arith.constant 0 : i32
      %dma_start3A_11 = tpu.memref_slice %arg11[%mul3A_0, %dma_start3A] : memref<10240x128xf32, #tpu.memory_space<vmem_shared>> -> memref<640x128xf32, #tpu.memory_space<vmem_shared>>
      %dma_start3A_12 = arith.constant 0 : i32
      %dma_start3A_13 = tpu.memref_slice %arg5[%mul3A_0, %dma_start3A_12] : memref<10240x128xf32, #tpu.memory_space<hbm>> -> memref<640x128xf32, #tpu.memory_space<hbm>>
      tpu.enqueue_dma source(%dma_start3A_13 : memref<640x128xf32, #tpu.memory_space<hbm>>) target(%dma_start3A_11 : memref<640x128xf32, #tpu.memory_space<vmem_shared>>) target_semaphore(%run_scoped3A : memref<!tpu.dma_semaphore, #tpu.memory_space<semaphore_mem>>)
      %dma_wait3A = arith.constant 0 : i32
      %dma_wait3A_14 = tpu.memref_slice %arg11[%mul3A_0, %dma_wait3A] : memref<10240x128xf32, #tpu.memory_space<vmem_shared>> -> memref<640x128xf32, #tpu.memory_space<vmem_shared>>
      %dma_wait3A_15 = arith.constant 0 : i32
      %dma_wait3A_16 = tpu.memref_slice %arg5[%mul3A_0, %dma_wait3A_15] : memref<10240x128xf32, #tpu.memory_space<hbm>> -> memref<640x128xf32, #tpu.memory_space<hbm>>
      tpu.wait_dma2 semaphore(%run_scoped3A : memref<!tpu.dma_semaphore, #tpu.memory_space<semaphore_mem>>) src(%dma_wait3A_16 : memref<640x128xf32, #tpu.memory_space<hbm>>) dst(%dma_wait3A_14 : memref<640x128xf32, #tpu.memory_space<vmem_shared>>)
      tpu.yield
    }) : () -> ()
    %mul3A_1 = arith.constant 80 : i32
    %mul3A_2 = arith.muli %arg1, %mul3A_1 : i32
    "tpu.region"() ({
      %run_scoped3A = tpu.sem_alloc : memref<!tpu.dma_semaphore, #tpu.memory_space<semaphore_mem>>
      %dma_start3A = arith.constant 0 : i32
      %dma_start3A_11 = tpu.memref_slice %arg4[%mul3A_2, %dma_start3A] : memref<1280x128xi32, #tpu.memory_space<hbm>> -> memref<80x128xi32, #tpu.memory_space<hbm>>
      %dma_start3A_12 = arith.constant 0 : i32
      %dma_start3A_13 = tpu.memref_slice %arg4[%mul3A_2, %dma_start3A_12] : memref<1280x128xi32, #tpu.memory_space<hbm>> -> memref<80x128xi32, #tpu.memory_space<hbm>>
      tpu.enqueue_dma source(%dma_start3A_13 : memref<80x128xi32, #tpu.memory_space<hbm>>) target(%arg8 : memref<80x128xi32, #tpu.memory_space<vmem>>) target_semaphore(%run_scoped3A : memref<!tpu.dma_semaphore, #tpu.memory_space<semaphore_mem>>)
      %dma_wait3A = arith.constant 0 : i32
      %dma_wait3A_14 = tpu.memref_slice %arg4[%mul3A_2, %dma_wait3A] : memref<1280x128xi32, #tpu.memory_space<hbm>> -> memref<80x128xi32, #tpu.memory_space<hbm>>
      %dma_wait3A_15 = arith.constant 0 : i32
      %dma_wait3A_16 = tpu.memref_slice %arg4[%mul3A_2, %dma_wait3A_15] : memref<1280x128xi32, #tpu.memory_space<hbm>> -> memref<80x128xi32, #tpu.memory_space<hbm>>
      tpu.wait_dma2 semaphore(%run_scoped3A : memref<!tpu.dma_semaphore, #tpu.memory_space<semaphore_mem>>) src(%dma_wait3A_16 : memref<80x128xi32, #tpu.memory_space<hbm>>) dst(%arg8 : memref<80x128xi32, #tpu.memory_space<vmem>>)
      tpu.yield
    }) : () -> ()
    %mul3A_3 = arith.constant 10000 : i32
    %mul3A_4 = arith.muli %arg0, %mul3A_3 : i32
    %barrier3A = arith.constant 0 : index
    tpu.barrier barrier_id(%barrier3A)
    %scan3A = arith.constant 0 : i32
    %scan3A_5 = arith.constant 0 : i32
    %scan3A_6 = arith.constant 5 : i32
    %scan3A_7 = arith.addi %scan3A_5, %scan3A_6 : i32
    %scan3A_8 = arith.constant 1 : i32
    scf.for %scan3A_11 = %scan3A_5 to %scan3A_7 step %scan3A_8  : i32 {
      %mul3A_12 = arith.constant 16 : i32
      %mul3A_13 = arith.muli %scan3A_11, %mul3A_12 : i32
      %add3A = arith.addi %mul3A_2, %mul3A_13 : i32
      "tpu.region"() ({
        %run_scoped3A = tpu.sem_alloc : memref<!tpu.dma_semaphore, #tpu.memory_space<semaphore_mem>>
        %dma_start3A_42 = arith.constant 0 : i32
        %dma_start3A_43 = tpu.memref_slice %arg3[%add3A, %dma_start3A_42] : memref<1280x128xi32, #tpu.memory_space<hbm>> -> memref<16x128xi32, #tpu.memory_space<hbm>>
        %dma_start3A_44 = arith.constant 0 : i32
        %dma_start3A_45 = tpu.memref_slice %arg3[%add3A, %dma_start3A_44] : memref<1280x128xi32, #tpu.memory_space<hbm>> -> memref<16x128xi32, #tpu.memory_space<hbm>>
        tpu.enqueue_dma source(%dma_start3A_45 : memref<16x128xi32, #tpu.memory_space<hbm>>) target(%arg7 : memref<16x128xi32, #tpu.memory_space<vmem>>) target_semaphore(%run_scoped3A : memref<!tpu.dma_semaphore, #tpu.memory_space<semaphore_mem>>)
        %dma_wait3A_46 = arith.constant 0 : i32
        %dma_wait3A_47 = tpu.memref_slice %arg3[%add3A, %dma_wait3A_46] : memref<1280x128xi32, #tpu.memory_space<hbm>> -> memref<16x128xi32, #tpu.memory_space<hbm>>
        %dma_wait3A_48 = arith.constant 0 : i32
        %dma_wait3A_49 = tpu.memref_slice %arg3[%add3A, %dma_wait3A_48] : memref<1280x128xi32, #tpu.memory_space<hbm>> -> memref<16x128xi32, #tpu.memory_space<hbm>>
        tpu.wait_dma2 semaphore(%run_scoped3A : memref<!tpu.dma_semaphore, #tpu.memory_space<semaphore_mem>>) src(%dma_wait3A_49 : memref<16x128xi32, #tpu.memory_space<hbm>>) dst(%arg7 : memref<16x128xi32, #tpu.memory_space<vmem>>)
        tpu.yield
      }) : () -> ()
      %scan3A_14 = arith.constant 0 : i32
      %scan3A_15 = arith.constant 0 : i32
      %scan3A_16 = arith.constant 16 : i32
      %scan3A_17 = arith.addi %scan3A_15, %scan3A_16 : i32
      %scan3A_18 = arith.constant 1 : i32
      scf.for %scan3A_42 = %scan3A_15 to %scan3A_17 step %scan3A_18  : i32 {
        %get3A = arith.index_cast %scan3A_42 : i32 to index
        %get3A_43 = arith.constant 0 : index
        %get3A_44 = tpu.vector_load %arg7[%get3A, %get3A_43] {strides = array<i32>} : memref<16x128xi32, #tpu.memory_space<vmem>>, vector<1x16xi32>,
        %get3A_45 = vector.shape_cast %get3A_44 : vector<1x16xi32> to vector<16xi32>
        %add3A_46 = vector.broadcast %mul3A_4 : i32 to vector<16xi32>
        %add3A_47 = arith.addi %get3A_45, %add3A_46 : vector<16xi32>
        %swap3A = arith.index_cast %scan3A_42 : i32 to index
        %swap3A_48 = arith.constant 0 : index
        %swap3A_49 = tpu.vector_load %arg7[%swap3A, %swap3A_48] {strides = array<i32>} : memref<16x128xi32, #tpu.memory_space<vmem>>, vector<1x16xi32>,
        %swap3A_50 = vector.shape_cast %swap3A_49 : vector<1x16xi32> to vector<16xi32>
        %swap3A_51 = vector.shape_cast %add3A_47 : vector<16xi32> to vector<1x16xi32>
        tpu.vector_store %arg7[%swap3A, %swap3A_48], %swap3A_51 {strides = array<i32>} : memref<16x128xi32, #tpu.memory_space<vmem>>, vector<1x16xi32>,
        %get3A_52 = arith.index_cast %scan3A_42 : i32 to index
        %get3A_53 = arith.constant 16 : index
        %get3A_54 = tpu.vector_load %arg7[%get3A_52, %get3A_53] {strides = array<i32>} : memref<16x128xi32, #tpu.memory_space<vmem>>, vector<1x16xi32>,
        %get3A_55 = vector.shape_cast %get3A_54 : vector<1x16xi32> to vector<16xi32>
        %add3A_56 = vector.broadcast %mul3A_4 : i32 to vector<16xi32>
        %add3A_57 = arith.addi %get3A_55, %add3A_56 : vector<16xi32>
        %swap3A_58 = arith.index_cast %scan3A_42 : i32 to index
        %swap3A_59 = arith.constant 16 : index
        %swap3A_60 = tpu.vector_load %arg7[%swap3A_58, %swap3A_59] {strides = array<i32>} : memref<16x128xi32, #tpu.memory_space<vmem>>, vector<1x16xi32>,
        %swap3A_61 = vector.shape_cast %swap3A_60 : vector<1x16xi32> to vector<16xi32>
        %swap3A_62 = vector.shape_cast %add3A_57 : vector<16xi32> to vector<1x16xi32>
        tpu.vector_store %arg7[%swap3A_58, %swap3A_59], %swap3A_62 {strides = array<i32>} : memref<16x128xi32, #tpu.memory_space<vmem>>, vector<1x16xi32>,
        %get3A_63 = arith.index_cast %scan3A_42 : i32 to index
        %get3A_64 = arith.constant 32 : index
        %get3A_65 = tpu.vector_load %arg7[%get3A_63, %get3A_64] {strides = array<i32>} : memref<16x128xi32, #tpu.memory_space<vmem>>, vector<1x16xi32>,
        %get3A_66 = vector.shape_cast %get3A_65 : vector<1x16xi32> to vector<16xi32>
        %add3A_67 = vector.broadcast %mul3A_4 : i32 to vector<16xi32>
        %add3A_68 = arith.addi %get3A_66, %add3A_67 : vector<16xi32>
        %swap3A_69 = arith.index_cast %scan3A_42 : i32 to index
        %swap3A_70 = arith.constant 32 : index
        %swap3A_71 = tpu.vector_load %arg7[%swap3A_69, %swap3A_70] {strides = array<i32>} : memref<16x128xi32, #tpu.memory_space<vmem>>, vector<1x16xi32>,
        %swap3A_72 = vector.shape_cast %swap3A_71 : vector<1x16xi32> to vector<16xi32>
        %swap3A_73 = vector.shape_cast %add3A_68 : vector<16xi32> to vector<1x16xi32>
        tpu.vector_store %arg7[%swap3A_69, %swap3A_70], %swap3A_73 {strides = array<i32>} : memref<16x128xi32, #tpu.memory_space<vmem>>, vector<1x16xi32>,
        %get3A_74 = arith.index_cast %scan3A_42 : i32 to index
        %get3A_75 = arith.constant 48 : index
        %get3A_76 = tpu.vector_load %arg7[%get3A_74, %get3A_75] {strides = array<i32>} : memref<16x128xi32, #tpu.memory_space<vmem>>, vector<1x16xi32>,
        %get3A_77 = vector.shape_cast %get3A_76 : vector<1x16xi32> to vector<16xi32>
        %add3A_78 = vector.broadcast %mul3A_4 : i32 to vector<16xi32>
        %add3A_79 = arith.addi %get3A_77, %add3A_78 : vector<16xi32>
        %swap3A_80 = arith.index_cast %scan3A_42 : i32 to index
        %swap3A_81 = arith.constant 48 : index
        %swap3A_82 = tpu.vector_load %arg7[%swap3A_80, %swap3A_81] {strides = array<i32>} : memref<16x128xi32, #tpu.memory_space<vmem>>, vector<1x16xi32>,
        %swap3A_83 = vector.shape_cast %swap3A_82 : vector<1x16xi32> to vector<16xi32>
        %swap3A_84 = vector.shape_cast %add3A_79 : vector<16xi32> to vector<1x16xi32>
        tpu.vector_store %arg7[%swap3A_80, %swap3A_81], %swap3A_84 {strides = array<i32>} : memref<16x128xi32, #tpu.memory_space<vmem>>, vector<1x16xi32>,
        %get3A_85 = arith.index_cast %scan3A_42 : i32 to index
        %get3A_86 = arith.constant 64 : index
        %get3A_87 = tpu.vector_load %arg7[%get3A_85, %get3A_86] {strides = array<i32>} : memref<16x128xi32, #tpu.memory_space<vmem>>, vector<1x16xi32>,
        %get3A_88 = vector.shape_cast %get3A_87 : vector<1x16xi32> to vector<16xi32>
        %add3A_89 = vector.broadcast %mul3A_4 : i32 to vector<16xi32>
        %add3A_90 = arith.addi %get3A_88, %add3A_89 : vector<16xi32>
        %swap3A_91 = arith.index_cast %scan3A_42 : i32 to index
        %swap3A_92 = arith.constant 64 : index
        %swap3A_93 = tpu.vector_load %arg7[%swap3A_91, %swap3A_92] {strides = array<i32>} : memref<16x128xi32, #tpu.memory_space<vmem>>, vector<1x16xi32>,
        %swap3A_94 = vector.shape_cast %swap3A_93 : vector<1x16xi32> to vector<16xi32>
        %swap3A_95 = vector.shape_cast %add3A_90 : vector<16xi32> to vector<1x16xi32>
        tpu.vector_store %arg7[%swap3A_91, %swap3A_92], %swap3A_95 {strides = array<i32>} : memref<16x128xi32, #tpu.memory_space<vmem>>, vector<1x16xi32>,
        %get3A_96 = arith.index_cast %scan3A_42 : i32 to index
        %get3A_97 = arith.constant 80 : index
        %get3A_98 = tpu.vector_load %arg7[%get3A_96, %get3A_97] {strides = array<i32>} : memref<16x128xi32, #tpu.memory_space<vmem>>, vector<1x16xi32>,
        %get3A_99 = vector.shape_cast %get3A_98 : vector<1x16xi32> to vector<16xi32>
        %add3A_100 = vector.broadcast %mul3A_4 : i32 to vector<16xi32>
        %add3A_101 = arith.addi %get3A_99, %add3A_100 : vector<16xi32>
        %swap3A_102 = arith.index_cast %scan3A_42 : i32 to index
        %swap3A_103 = arith.constant 80 : index
        %swap3A_104 = tpu.vector_load %arg7[%swap3A_102, %swap3A_103] {strides = array<i32>} : memref<16x128xi32, #tpu.memory_space<vmem>>, vector<1x16xi32>,
        %swap3A_105 = vector.shape_cast %swap3A_104 : vector<1x16xi32> to vector<16xi32>
        %swap3A_106 = vector.shape_cast %add3A_101 : vector<16xi32> to vector<1x16xi32>
        tpu.vector_store %arg7[%swap3A_102, %swap3A_103], %swap3A_106 {strides = array<i32>} : memref<16x128xi32, #tpu.memory_space<vmem>>, vector<1x16xi32>,
        %get3A_107 = arith.index_cast %scan3A_42 : i32 to index
        %get3A_108 = arith.constant 96 : index
        %get3A_109 = tpu.vector_load %arg7[%get3A_107, %get3A_108] {strides = array<i32>} : memref<16x128xi32, #tpu.memory_space<vmem>>, vector<1x16xi32>,
        %get3A_110 = vector.shape_cast %get3A_109 : vector<1x16xi32> to vector<16xi32>
        %add3A_111 = vector.broadcast %mul3A_4 : i32 to vector<16xi32>
        %add3A_112 = arith.addi %get3A_110, %add3A_111 : vector<16xi32>
        %swap3A_113 = arith.index_cast %scan3A_42 : i32 to index
        %swap3A_114 = arith.constant 96 : index
        %swap3A_115 = tpu.vector_load %arg7[%swap3A_113, %swap3A_114] {strides = array<i32>} : memref<16x128xi32, #tpu.memory_space<vmem>>, vector<1x16xi32>,
        %swap3A_116 = vector.shape_cast %swap3A_115 : vector<1x16xi32> to vector<16xi32>
        %swap3A_117 = vector.shape_cast %add3A_112 : vector<16xi32> to vector<1x16xi32>
        tpu.vector_store %arg7[%swap3A_113, %swap3A_114], %swap3A_117 {strides = array<i32>} : memref<16x128xi32, #tpu.memory_space<vmem>>, vector<1x16xi32>,
        %get3A_118 = arith.index_cast %scan3A_42 : i32 to index
        %get3A_119 = arith.constant 112 : index
        %get3A_120 = tpu.vector_load %arg7[%get3A_118, %get3A_119] {strides = array<i32>} : memref<16x128xi32, #tpu.memory_space<vmem>>, vector<1x16xi32>,
        %get3A_121 = vector.shape_cast %get3A_120 : vector<1x16xi32> to vector<16xi32>
        %add3A_122 = vector.broadcast %mul3A_4 : i32 to vector<16xi32>
        %add3A_123 = arith.addi %get3A_121, %add3A_122 : vector<16xi32>
        %swap3A_124 = arith.index_cast %scan3A_42 : i32 to index
        %swap3A_125 = arith.constant 112 : index
        %swap3A_126 = tpu.vector_load %arg7[%swap3A_124, %swap3A_125] {strides = array<i32>} : memref<16x128xi32, #tpu.memory_space<vmem>>, vector<1x16xi32>,
        %swap3A_127 = vector.shape_cast %swap3A_126 : vector<1x16xi32> to vector<16xi32>
        %swap3A_128 = vector.shape_cast %add3A_123 : vector<16xi32> to vector<1x16xi32>
        tpu.vector_store %arg7[%swap3A_124, %swap3A_125], %swap3A_128 {strides = array<i32>} : memref<16x128xi32, #tpu.memory_space<vmem>>, vector<1x16xi32>,
      }
      %scan3A_19 = arith.constant 16 : i32
      %mul3A_20 = arith.constant 16 : i32
      %mul3A_21 = arith.muli %scan3A_11, %mul3A_20 : i32
      %dma_start3A = arith.constant 0 : i32
      %dma_start3A_22 = arith.constant 0 : i32
      %dma_start3A_23 = tpu.memref_slice %arg7[%dma_start3A, %dma_start3A_22] : memref<16x128xi32, #tpu.memory_space<vmem>> -> memref<1x128xi32, #tpu.memory_space<vmem>>
      %dma_start3A_24 = tpu.memref_squeeze %dma_start3A_23 : memref<1x128xi32, #tpu.memory_space<vmem>> -> memref<128xi32, #tpu.memory_space<vmem>>
      %dma_start3A_25 = arith.constant 0 : i32
      %dma_start3A_26 = arith.constant 0 : i32
      %dma_start3A_27 = tpu.memref_slice %arg2[%dma_start3A_25, %dma_start3A_26] : memref<20000x128xf32, #tpu.memory_space<hbm>> -> memref<20000x128xf32, #tpu.memory_space<hbm>>
      tpu.enqueue_indirect_dma source(%dma_start3A_27 : memref<20000x128xf32, #tpu.memory_space<hbm>>) target(%arg9 : memref<128x128xf32, #tpu.memory_space<vmem>>) offsets(%dma_start3A_24 : memref<128xi32, #tpu.memory_space<vmem>>) semaphore(%arg12 : memref<!tpu.dma_semaphore, #tpu.memory_space<semaphore_mem>>)
      %scan3A_28 = arith.constant 0 : i32
      %scan3A_29 = arith.constant 0 : i32
      %scan3A_30 = arith.constant 8 : i32
      %scan3A_31 = arith.addi %scan3A_29, %scan3A_30 : i32
      %scan3A_32 = arith.constant 1 : i32
      scf.for %scan3A_42 = %scan3A_29 to %scan3A_31 step %scan3A_32  : i32 {
        %mul3A_43 = arith.constant 2 : i32
        %mul3A_44 = arith.muli %scan3A_42, %mul3A_43 : i32
        %add3A_45 = arith.constant 1 : i32
        %add3A_46 = arith.addi %mul3A_44, %add3A_45 : i32
        %add3A_47 = arith.addi %mul3A_21, %mul3A_44 : i32
        %dma_wait3A_48 = arith.constant 0 : i32
        %dma_wait3A_49 = tpu.memref_slice %arg7[%mul3A_44, %dma_wait3A_48] : memref<16x128xi32, #tpu.memory_space<vmem>> -> memref<1x128xi32, #tpu.memory_space<vmem>>
        %dma_wait3A_50 = tpu.memref_squeeze %dma_wait3A_49 : memref<1x128xi32, #tpu.memory_space<vmem>> -> memref<128xi32, #tpu.memory_space<vmem>>
        %dma_wait3A_51 = arith.constant 0 : i32
        %dma_wait3A_52 = arith.constant 0 : i32
        %dma_wait3A_53 = tpu.memref_slice %arg2[%dma_wait3A_51, %dma_wait3A_52] : memref<20000x128xf32, #tpu.memory_space<hbm>> -> memref<20000x128xf32, #tpu.memory_space<hbm>>
        tpu.wait_indirect_dma semaphore(%arg12 : memref<!tpu.dma_semaphore, #tpu.memory_space<semaphore_mem>>) src(%dma_wait3A_53 : memref<20000x128xf32, #tpu.memory_space<hbm>>) dst(%arg9 : memref<128x128xf32, #tpu.memory_space<vmem>>)
        %add3A_54 = arith.addi %mul3A_21, %mul3A_44 : i32
        %dma_start3A_55 = arith.constant 0 : i32
        %dma_start3A_56 = tpu.memref_slice %arg8[%add3A_54, %dma_start3A_55] : memref<80x128xi32, #tpu.memory_space<vmem>> -> memref<1x128xi32, #tpu.memory_space<vmem>>
        %dma_start3A_57 = tpu.memref_squeeze %dma_start3A_56 : memref<1x128xi32, #tpu.memory_space<vmem>> -> memref<128xi32, #tpu.memory_space<vmem>>
        %dma_start3A_58 = arith.constant 0 : i32
        %dma_start3A_59 = arith.constant 0 : i32
        %dma_start3A_60 = tpu.memref_slice %arg11[%dma_start3A_58, %dma_start3A_59] : memref<10240x128xf32, #tpu.memory_space<vmem_shared>> -> memref<10240x128xf32, #tpu.memory_space<vmem_shared>>
        tpu.enqueue_indirect_dma source(%arg9 : memref<128x128xf32, #tpu.memory_space<vmem>>) target(%dma_start3A_60 : memref<10240x128xf32, #tpu.memory_space<vmem_shared>>) offsets(%dma_start3A_57 : memref<128xi32, #tpu.memory_space<vmem>>) semaphore(%arg14 : memref<!tpu.dma_semaphore, #tpu.memory_space<semaphore_mem>>) {add = true}
        %gt3A = arith.constant 0 : i32
        %gt3A_61 = arith.cmpi sgt, %scan3A_42, %gt3A : i32
        %convert_element_type3A = arith.extui %gt3A_61 : i1 to i32
        %cond3A = arith.constant 0 : i32
        %cond3A_62 = arith.cmpi ne, %convert_element_type3A, %cond3A : i32
        scf.if %cond3A_62 {
          %add3A_95 = arith.addi %mul3A_21, %add3A_46 : i32
          %sub3A_96 = arith.constant 2 : i32
          %sub3A_97 = arith.subi %add3A_95, %sub3A_96 : i32
          %dma_wait3A_98 = arith.constant 0 : i32
          %dma_wait3A_99 = tpu.memref_slice %arg8[%sub3A_97, %dma_wait3A_98] : memref<80x128xi32, #tpu.memory_space<vmem>> -> memref<1x128xi32, #tpu.memory_space<vmem>>
          %dma_wait3A_100 = tpu.memref_squeeze %dma_wait3A_99 : memref<1x128xi32, #tpu.memory_space<vmem>> -> memref<128xi32, #tpu.memory_space<vmem>>
          %dma_wait3A_101 = arith.constant 0 : i32
          %dma_wait3A_102 = arith.constant 0 : i32
          %dma_wait3A_103 = tpu.memref_slice %arg11[%dma_wait3A_101, %dma_wait3A_102] : memref<10240x128xf32, #tpu.memory_space<vmem_shared>> -> memref<10240x128xf32, #tpu.memory_space<vmem_shared>>
          tpu.wait_indirect_dma semaphore(%arg15 : memref<!tpu.dma_semaphore, #tpu.memory_space<semaphore_mem>>) src(%arg10 : memref<128x128xf32, #tpu.memory_space<vmem>>) dst(%dma_wait3A_103 : memref<10240x128xf32, #tpu.memory_space<vmem_shared>>)
        } else {
        }
        %add3A_63 = arith.addi %mul3A_21, %add3A_46 : i32
        %dma_start3A_64 = arith.constant 0 : i32
        %dma_start3A_65 = tpu.memref_slice %arg7[%add3A_46, %dma_start3A_64] : memref<16x128xi32, #tpu.memory_space<vmem>> -> memref<1x128xi32, #tpu.memory_space<vmem>>
        %dma_start3A_66 = tpu.memref_squeeze %dma_start3A_65 : memref<1x128xi32, #tpu.memory_space<vmem>> -> memref<128xi32, #tpu.memory_space<vmem>>
        %dma_start3A_67 = arith.constant 0 : i32
        %dma_start3A_68 = arith.constant 0 : i32
        %dma_start3A_69 = tpu.memref_slice %arg2[%dma_start3A_67, %dma_start3A_68] : memref<20000x128xf32, #tpu.memory_space<hbm>> -> memref<20000x128xf32, #tpu.memory_space<hbm>>
        tpu.enqueue_indirect_dma source(%dma_start3A_69 : memref<20000x128xf32, #tpu.memory_space<hbm>>) target(%arg10 : memref<128x128xf32, #tpu.memory_space<vmem>>) offsets(%dma_start3A_66 : memref<128xi32, #tpu.memory_space<vmem>>) semaphore(%arg13 : memref<!tpu.dma_semaphore, #tpu.memory_space<semaphore_mem>>)
        %add3A_70 = arith.addi %mul3A_21, %add3A_46 : i32
        %dma_wait3A_71 = arith.constant 0 : i32
        %dma_wait3A_72 = tpu.memref_slice %arg7[%add3A_46, %dma_wait3A_71] : memref<16x128xi32, #tpu.memory_space<vmem>> -> memref<1x128xi32, #tpu.memory_space<vmem>>
        %dma_wait3A_73 = tpu.memref_squeeze %dma_wait3A_72 : memref<1x128xi32, #tpu.memory_space<vmem>> -> memref<128xi32, #tpu.memory_space<vmem>>
        %dma_wait3A_74 = arith.constant 0 : i32
        %dma_wait3A_75 = arith.constant 0 : i32
        %dma_wait3A_76 = tpu.memref_slice %arg2[%dma_wait3A_74, %dma_wait3A_75] : memref<20000x128xf32, #tpu.memory_space<hbm>> -> memref<20000x128xf32, #tpu.memory_space<hbm>>
        tpu.wait_indirect_dma semaphore(%arg13 : memref<!tpu.dma_semaphore, #tpu.memory_space<semaphore_mem>>) src(%dma_wait3A_76 : memref<20000x128xf32, #tpu.memory_space<hbm>>) dst(%arg10 : memref<128x128xf32, #tpu.memory_space<vmem>>)
        %add3A_77 = arith.addi %mul3A_21, %add3A_46 : i32
        %dma_start3A_78 = arith.constant 0 : i32
        %dma_start3A_79 = tpu.memref_slice %arg8[%add3A_77, %dma_start3A_78] : memref<80x128xi32, #tpu.memory_space<vmem>> -> memref<1x128xi32, #tpu.memory_space<vmem>>
        %dma_start3A_80 = tpu.memref_squeeze %dma_start3A_79 : memref<1x128xi32, #tpu.memory_space<vmem>> -> memref<128xi32, #tpu.memory_space<vmem>>
        %dma_start3A_81 = arith.constant 0 : i32
        %dma_start3A_82 = arith.constant 0 : i32
        %dma_start3A_83 = tpu.memref_slice %arg11[%dma_start3A_81, %dma_start3A_82] : memref<10240x128xf32, #tpu.memory_space<vmem_shared>> -> memref<10240x128xf32, #tpu.memory_space<vmem_shared>>
        tpu.enqueue_indirect_dma source(%arg10 : memref<128x128xf32, #tpu.memory_space<vmem>>) target(%dma_start3A_83 : memref<10240x128xf32, #tpu.memory_space<vmem_shared>>) offsets(%dma_start3A_80 : memref<128xi32, #tpu.memory_space<vmem>>) semaphore(%arg15 : memref<!tpu.dma_semaphore, #tpu.memory_space<semaphore_mem>>) {add = true}
        %add3A_84 = arith.addi %mul3A_21, %mul3A_44 : i32
        %dma_wait3A_85 = arith.constant 0 : i32
        %dma_wait3A_86 = tpu.memref_slice %arg8[%add3A_84, %dma_wait3A_85] : memref<80x128xi32, #tpu.memory_space<vmem>> -> memref<1x128xi32, #tpu.memory_space<vmem>>
        %dma_wait3A_87 = tpu.memref_squeeze %dma_wait3A_86 : memref<1x128xi32, #tpu.memory_space<vmem>> -> memref<128xi32, #tpu.memory_space<vmem>>
        %dma_wait3A_88 = arith.constant 0 : i32
        %dma_wait3A_89 = arith.constant 0 : i32
        %dma_wait3A_90 = tpu.memref_slice %arg11[%dma_wait3A_88, %dma_wait3A_89] : memref<10240x128xf32, #tpu.memory_space<vmem_shared>> -> memref<10240x128xf32, #tpu.memory_space<vmem_shared>>
        tpu.wait_indirect_dma semaphore(%arg14 : memref<!tpu.dma_semaphore, #tpu.memory_space<semaphore_mem>>) src(%arg9 : memref<128x128xf32, #tpu.memory_space<vmem>>) dst(%dma_wait3A_90 : memref<10240x128xf32, #tpu.memory_space<vmem_shared>>)
        %lt3A = arith.constant 7 : i32
        %lt3A_91 = arith.cmpi slt, %scan3A_42, %lt3A : i32
        %convert_element_type3A_92 = arith.extui %lt3A_91 : i1 to i32
        %cond3A_93 = arith.constant 0 : i32
        %cond3A_94 = arith.cmpi ne, %convert_element_type3A_92, %cond3A_93 : i32
        scf.if %cond3A_94 {
          %add3A_95 = arith.constant 2 : i32
          %add3A_96 = arith.addi %mul3A_44, %add3A_95 : i32
          %add3A_97 = arith.addi %mul3A_21, %mul3A_44 : i32
          %add3A_98 = arith.constant 2 : i32
          %add3A_99 = arith.addi %add3A_97, %add3A_98 : i32
          %dma_start3A_100 = arith.constant 0 : i32
          %dma_start3A_101 = tpu.memref_slice %arg7[%add3A_96, %dma_start3A_100] : memref<16x128xi32, #tpu.memory_space<vmem>> -> memref<1x128xi32, #tpu.memory_space<vmem>>
          %dma_start3A_102 = tpu.memref_squeeze %dma_start3A_101 : memref<1x128xi32, #tpu.memory_space<vmem>> -> memref<128xi32, #tpu.memory_space<vmem>>
          %dma_start3A_103 = arith.constant 0 : i32
          %dma_start3A_104 = arith.constant 0 : i32
          %dma_start3A_105 = tpu.memref_slice %arg2[%dma_start3A_103, %dma_start3A_104] : memref<20000x128xf32, #tpu.memory_space<hbm>> -> memref<20000x128xf32, #tpu.memory_space<hbm>>
          tpu.enqueue_indirect_dma source(%dma_start3A_105 : memref<20000x128xf32, #tpu.memory_space<hbm>>) target(%arg9 : memref<128x128xf32, #tpu.memory_space<vmem>>) offsets(%dma_start3A_102 : memref<128xi32, #tpu.memory_space<vmem>>) semaphore(%arg12 : memref<!tpu.dma_semaphore, #tpu.memory_space<semaphore_mem>>)
        } else {
        }
      }
      %scan3A_33 = arith.constant 8 : i32
      %add3A_34 = arith.constant 16 : i32
      %add3A_35 = arith.addi %mul3A_21, %add3A_34 : i32
      %sub3A = arith.constant 1 : i32
      %sub3A_36 = arith.subi %add3A_35, %sub3A : i32
      %dma_wait3A = arith.constant 0 : i32
      %dma_wait3A_37 = tpu.memref_slice %arg8[%sub3A_36, %dma_wait3A] : memref<80x128xi32, #tpu.memory_space<vmem>> -> memref<1x128xi32, #tpu.memory_space<vmem>>
      %dma_wait3A_38 = tpu.memref_squeeze %dma_wait3A_37 : memref<1x128xi32, #tpu.memory_space<vmem>> -> memref<128xi32, #tpu.memory_space<vmem>>
      %dma_wait3A_39 = arith.constant 0 : i32
      %dma_wait3A_40 = arith.constant 0 : i32
      %dma_wait3A_41 = tpu.memref_slice %arg11[%dma_wait3A_39, %dma_wait3A_40] : memref<10240x128xf32, #tpu.memory_space<vmem_shared>> -> memref<10240x128xf32, #tpu.memory_space<vmem_shared>>
      tpu.wait_indirect_dma semaphore(%arg15 : memref<!tpu.dma_semaphore, #tpu.memory_space<semaphore_mem>>) src(%arg10 : memref<128x128xf32, #tpu.memory_space<vmem>>) dst(%dma_wait3A_41 : memref<10240x128xf32, #tpu.memory_space<vmem_shared>>)
    }
    %scan3A_9 = arith.constant 5 : i32
    %barrier3A_10 = arith.constant 0 : index
    tpu.barrier barrier_id(%barrier3A_10)
    "tpu.region"() ({
      %run_scoped3A = tpu.sem_alloc : memref<!tpu.dma_semaphore, #tpu.memory_space<semaphore_mem>>
      %dma_start3A = arith.constant 0 : i32
      %dma_start3A_11 = tpu.memref_slice %arg6[%arg0, %mul3A_0, %dma_start3A] : memref<2x10240x128xf32, #tpu.memory_space<hbm>> -> memref<1x640x128xf32, #tpu.memory_space<hbm>>
      %dma_start3A_12 = tpu.memref_squeeze %dma_start3A_11 : memref<1x640x128xf32, #tpu.memory_space<hbm>> -> memref<640x128xf32, #tpu.memory_space<hbm>>
      %dma_start3A_13 = arith.constant 0 : i32
      %dma_start3A_14 = tpu.memref_slice %arg11[%mul3A_0, %dma_start3A_13] : memref<10240x128xf32, #tpu.memory_space<vmem_shared>> -> memref<640x128xf32, #tpu.memory_space<vmem_shared>>
      tpu.enqueue_dma source(%dma_start3A_14 : memref<640x128xf32, #tpu.memory_space<vmem_shared>>) target(%dma_start3A_12 : memref<640x128xf32, #tpu.memory_space<hbm>>) target_semaphore(%run_scoped3A : memref<!tpu.dma_semaphore, #tpu.memory_space<semaphore_mem>>)
      %dma_wait3A = arith.constant 0 : i32
      %dma_wait3A_15 = tpu.memref_slice %arg6[%arg0, %mul3A_0, %dma_wait3A] : memref<2x10240x128xf32, #tpu.memory_space<hbm>> -> memref<1x640x128xf32, #tpu.memory_space<hbm>>
      %dma_wait3A_16 = tpu.memref_squeeze %dma_wait3A_15 : memref<1x640x128xf32, #tpu.memory_space<hbm>> -> memref<640x128xf32, #tpu.memory_space<hbm>>
      %dma_wait3A_17 = arith.constant 0 : i32
      %dma_wait3A_18 = tpu.memref_slice %arg11[%mul3A_0, %dma_wait3A_17] : memref<10240x128xf32, #tpu.memory_space<vmem_shared>> -> memref<640x128xf32, #tpu.memory_space<vmem_shared>>
      tpu.wait_dma2 semaphore(%run_scoped3A : memref<!tpu.dma_semaphore, #tpu.memory_space<semaphore_mem>>) src(%dma_wait3A_18 : memref<640x128xf32, #tpu.memory_space<vmem_shared>>) dst(%dma_wait3A_16 : memref<640x128xf32, #tpu.memory_space<hbm>>)
      tpu.yield
    }) : () -> ()
    return
  }
}

#map = affine_map<(d0, d1) -> (0, 0)>
#map1 = affine_map<(d0, d1) -> (0, 0, 0)>
module attributes {stable_mosaic.version = 14 : i64} {
  func.func @_agg_body(%arg0: i32, %arg1: i32, %arg2: memref<20000x128xf32, #tpu.memory_space<hbm>>, %arg3: memref<1280x128xi32, #tpu.memory_space<hbm>>, %arg4: memref<1280x128xi32, #tpu.memory_space<hbm>>, %arg5: memref<10240x128xf32, #tpu.memory_space<hbm>>, %arg6: memref<2x10240x128xf32, #tpu.memory_space<hbm>>, %arg7: memref<16x128xi32, #tpu.memory_space<vmem>>, %arg8: memref<80x128xi32, #tpu.memory_space<vmem>>, %arg9: memref<128x128xf32, #tpu.memory_space<vmem>>, %arg10: memref<128x128xf32, #tpu.memory_space<vmem>>, %arg11: memref<10240x128xf32, #tpu.memory_space<vmem_shared>>, %arg12: memref<!tpu.dma_semaphore, #tpu.memory_space<semaphore_mem>>, %arg13: memref<!tpu.dma_semaphore, #tpu.memory_space<semaphore_mem>>, %arg14: memref<!tpu.dma_semaphore, #tpu.memory_space<semaphore_mem>>, %arg15: memref<!tpu.dma_semaphore, #tpu.memory_space<semaphore_mem>>) attributes {dimension_semantics = [#tpu.dimension_semantics<core_parallel>, #tpu.dimension_semantics<subcore_parallel>], iteration_bounds = array<i64: 2, 16>, scalar_prefetch = 0 : i64, scratch_operands = 9 : i64, tpu.core_type = #tpu.core_type<sc_vector_subcore>, window_params = [{transform_indices = #map}, {transform_indices = #map}, {transform_indices = #map}, {transform_indices = #map}, {transform_indices = #map1}]} {
    %mul3A = arith.constant 640 : i32
    %mul3A_0 = arith.muli %arg1, %mul3A : i32
    "tpu.region"() ({
      %run_scoped3A = tpu.sem_alloc : memref<!tpu.dma_semaphore, #tpu.memory_space<semaphore_mem>>
      %dma_start3A = arith.constant 0 : i32
      %dma_start3A_11 = tpu.memref_slice %arg11[%mul3A_0, %dma_start3A] : memref<10240x128xf32, #tpu.memory_space<vmem_shared>> -> memref<640x128xf32, #tpu.memory_space<vmem_shared>>
      %dma_start3A_12 = arith.constant 0 : i32
      %dma_start3A_13 = tpu.memref_slice %arg5[%mul3A_0, %dma_start3A_12] : memref<10240x128xf32, #tpu.memory_space<hbm>> -> memref<640x128xf32, #tpu.memory_space<hbm>>
      tpu.enqueue_dma source(%dma_start3A_13 : memref<640x128xf32, #tpu.memory_space<hbm>>) target(%dma_start3A_11 : memref<640x128xf32, #tpu.memory_space<vmem_shared>>) target_semaphore(%run_scoped3A : memref<!tpu.dma_semaphore, #tpu.memory_space<semaphore_mem>>)
      %dma_wait3A = arith.constant 0 : i32
      %dma_wait3A_14 = tpu.memref_slice %arg11[%mul3A_0, %dma_wait3A] : memref<10240x128xf32, #tpu.memory_space<vmem_shared>> -> memref<640x128xf32, #tpu.memory_space<vmem_shared>>
      %dma_wait3A_15 = arith.constant 0 : i32
      %dma_wait3A_16 = tpu.memref_slice %arg5[%mul3A_0, %dma_wait3A_15] : memref<10240x128xf32, #tpu.memory_space<hbm>> -> memref<640x128xf32, #tpu.memory_space<hbm>>
      tpu.wait_dma2 semaphore(%run_scoped3A : memref<!tpu.dma_semaphore, #tpu.memory_space<semaphore_mem>>) src(%dma_wait3A_16 : memref<640x128xf32, #tpu.memory_space<hbm>>) dst(%dma_wait3A_14 : memref<640x128xf32, #tpu.memory_space<vmem_shared>>)
      tpu.yield
    }) : () -> ()
    %mul3A_1 = arith.constant 80 : i32
    %mul3A_2 = arith.muli %arg1, %mul3A_1 : i32
    "tpu.region"() ({
      %run_scoped3A = tpu.sem_alloc : memref<!tpu.dma_semaphore, #tpu.memory_space<semaphore_mem>>
      %dma_start3A = arith.constant 0 : i32
      %dma_start3A_11 = tpu.memref_slice %arg4[%mul3A_2, %dma_start3A] : memref<1280x128xi32, #tpu.memory_space<hbm>> -> memref<80x128xi32, #tpu.memory_space<hbm>>
      %dma_start3A_12 = arith.constant 0 : i32
      %dma_start3A_13 = tpu.memref_slice %arg4[%mul3A_2, %dma_start3A_12] : memref<1280x128xi32, #tpu.memory_space<hbm>> -> memref<80x128xi32, #tpu.memory_space<hbm>>
      tpu.enqueue_dma source(%dma_start3A_13 : memref<80x128xi32, #tpu.memory_space<hbm>>) target(%arg8 : memref<80x128xi32, #tpu.memory_space<vmem>>) target_semaphore(%run_scoped3A : memref<!tpu.dma_semaphore, #tpu.memory_space<semaphore_mem>>)
      %dma_wait3A = arith.constant 0 : i32
      %dma_wait3A_14 = tpu.memref_slice %arg4[%mul3A_2, %dma_wait3A] : memref<1280x128xi32, #tpu.memory_space<hbm>> -> memref<80x128xi32, #tpu.memory_space<hbm>>
      %dma_wait3A_15 = arith.constant 0 : i32
      %dma_wait3A_16 = tpu.memref_slice %arg4[%mul3A_2, %dma_wait3A_15] : memref<1280x128xi32, #tpu.memory_space<hbm>> -> memref<80x128xi32, #tpu.memory_space<hbm>>
      tpu.wait_dma2 semaphore(%run_scoped3A : memref<!tpu.dma_semaphore, #tpu.memory_space<semaphore_mem>>) src(%dma_wait3A_16 : memref<80x128xi32, #tpu.memory_space<hbm>>) dst(%arg8 : memref<80x128xi32, #tpu.memory_space<vmem>>)
      tpu.yield
    }) : () -> ()
    %mul3A_3 = arith.constant 10000 : i32
    %mul3A_4 = arith.muli %arg0, %mul3A_3 : i32
    %barrier3A = arith.constant 0 : index
    tpu.barrier barrier_id(%barrier3A)
    %scan3A = arith.constant 0 : i32
    %scan3A_5 = arith.constant 0 : i32
    %scan3A_6 = arith.constant 5 : i32
    %scan3A_7 = arith.addi %scan3A_5, %scan3A_6 : i32
    %scan3A_8 = arith.constant 1 : i32
    scf.for %scan3A_11 = %scan3A_5 to %scan3A_7 step %scan3A_8  : i32 {
      %mul3A_12 = arith.constant 16 : i32
      %mul3A_13 = arith.muli %scan3A_11, %mul3A_12 : i32
      %add3A = arith.addi %mul3A_2, %mul3A_13 : i32
      "tpu.region"() ({
        %run_scoped3A = tpu.sem_alloc : memref<!tpu.dma_semaphore, #tpu.memory_space<semaphore_mem>>
        %dma_start3A_42 = arith.constant 0 : i32
        %dma_start3A_43 = tpu.memref_slice %arg3[%add3A, %dma_start3A_42] : memref<1280x128xi32, #tpu.memory_space<hbm>> -> memref<16x128xi32, #tpu.memory_space<hbm>>
        %dma_start3A_44 = arith.constant 0 : i32
        %dma_start3A_45 = tpu.memref_slice %arg3[%add3A, %dma_start3A_44] : memref<1280x128xi32, #tpu.memory_space<hbm>> -> memref<16x128xi32, #tpu.memory_space<hbm>>
        tpu.enqueue_dma source(%dma_start3A_45 : memref<16x128xi32, #tpu.memory_space<hbm>>) target(%arg7 : memref<16x128xi32, #tpu.memory_space<vmem>>) target_semaphore(%run_scoped3A : memref<!tpu.dma_semaphore, #tpu.memory_space<semaphore_mem>>)
        %dma_wait3A_46 = arith.constant 0 : i32
        %dma_wait3A_47 = tpu.memref_slice %arg3[%add3A, %dma_wait3A_46] : memref<1280x128xi32, #tpu.memory_space<hbm>> -> memref<16x128xi32, #tpu.memory_space<hbm>>
        %dma_wait3A_48 = arith.constant 0 : i32
        %dma_wait3A_49 = tpu.memref_slice %arg3[%add3A, %dma_wait3A_48] : memref<1280x128xi32, #tpu.memory_space<hbm>> -> memref<16x128xi32, #tpu.memory_space<hbm>>
        tpu.wait_dma2 semaphore(%run_scoped3A : memref<!tpu.dma_semaphore, #tpu.memory_space<semaphore_mem>>) src(%dma_wait3A_49 : memref<16x128xi32, #tpu.memory_space<hbm>>) dst(%arg7 : memref<16x128xi32, #tpu.memory_space<vmem>>)
        tpu.yield
      }) : () -> ()
      %scan3A_14 = arith.constant 0 : i32
      %scan3A_15 = arith.constant 0 : i32
      %scan3A_16 = arith.constant 16 : i32
      %scan3A_17 = arith.addi %scan3A_15, %scan3A_16 : i32
      %scan3A_18 = arith.constant 1 : i32
      scf.for %scan3A_42 = %scan3A_15 to %scan3A_17 step %scan3A_18  : i32 {
        %get3A = arith.index_cast %scan3A_42 : i32 to index
        %get3A_43 = arith.constant 0 : index
        %get3A_44 = tpu.vector_load %arg7[%get3A, %get3A_43] {strides = array<i32>} : memref<16x128xi32, #tpu.memory_space<vmem>>, vector<1x16xi32>,
        %get3A_45 = vector.shape_cast %get3A_44 : vector<1x16xi32> to vector<16xi32>
        %add3A_46 = vector.broadcast %mul3A_4 : i32 to vector<16xi32>
        %add3A_47 = arith.addi %get3A_45, %add3A_46 : vector<16xi32>
        %swap3A = arith.index_cast %scan3A_42 : i32 to index
        %swap3A_48 = arith.constant 0 : index
        %swap3A_49 = tpu.vector_load %arg7[%swap3A, %swap3A_48] {strides = array<i32>} : memref<16x128xi32, #tpu.memory_space<vmem>>, vector<1x16xi32>,
        %swap3A_50 = vector.shape_cast %swap3A_49 : vector<1x16xi32> to vector<16xi32>
        %swap3A_51 = vector.shape_cast %add3A_47 : vector<16xi32> to vector<1x16xi32>
        tpu.vector_store %arg7[%swap3A, %swap3A_48], %swap3A_51 {strides = array<i32>} : memref<16x128xi32, #tpu.memory_space<vmem>>, vector<1x16xi32>,
        %get3A_52 = arith.index_cast %scan3A_42 : i32 to index
        %get3A_53 = arith.constant 16 : index
        %get3A_54 = tpu.vector_load %arg7[%get3A_52, %get3A_53] {strides = array<i32>} : memref<16x128xi32, #tpu.memory_space<vmem>>, vector<1x16xi32>,
        %get3A_55 = vector.shape_cast %get3A_54 : vector<1x16xi32> to vector<16xi32>
        %add3A_56 = vector.broadcast %mul3A_4 : i32 to vector<16xi32>
        %add3A_57 = arith.addi %get3A_55, %add3A_56 : vector<16xi32>
        %swap3A_58 = arith.index_cast %scan3A_42 : i32 to index
        %swap3A_59 = arith.constant 16 : index
        %swap3A_60 = tpu.vector_load %arg7[%swap3A_58, %swap3A_59] {strides = array<i32>} : memref<16x128xi32, #tpu.memory_space<vmem>>, vector<1x16xi32>,
        %swap3A_61 = vector.shape_cast %swap3A_60 : vector<1x16xi32> to vector<16xi32>
        %swap3A_62 = vector.shape_cast %add3A_57 : vector<16xi32> to vector<1x16xi32>
        tpu.vector_store %arg7[%swap3A_58, %swap3A_59], %swap3A_62 {strides = array<i32>} : memref<16x128xi32, #tpu.memory_space<vmem>>, vector<1x16xi32>,
        %get3A_63 = arith.index_cast %scan3A_42 : i32 to index
        %get3A_64 = arith.constant 32 : index
        %get3A_65 = tpu.vector_load %arg7[%get3A_63, %get3A_64] {strides = array<i32>} : memref<16x128xi32, #tpu.memory_space<vmem>>, vector<1x16xi32>,
        %get3A_66 = vector.shape_cast %get3A_65 : vector<1x16xi32> to vector<16xi32>
        %add3A_67 = vector.broadcast %mul3A_4 : i32 to vector<16xi32>
        %add3A_68 = arith.addi %get3A_66, %add3A_67 : vector<16xi32>
        %swap3A_69 = arith.index_cast %scan3A_42 : i32 to index
        %swap3A_70 = arith.constant 32 : index
        %swap3A_71 = tpu.vector_load %arg7[%swap3A_69, %swap3A_70] {strides = array<i32>} : memref<16x128xi32, #tpu.memory_space<vmem>>, vector<1x16xi32>,
        %swap3A_72 = vector.shape_cast %swap3A_71 : vector<1x16xi32> to vector<16xi32>
        %swap3A_73 = vector.shape_cast %add3A_68 : vector<16xi32> to vector<1x16xi32>
        tpu.vector_store %arg7[%swap3A_69, %swap3A_70], %swap3A_73 {strides = array<i32>} : memref<16x128xi32, #tpu.memory_space<vmem>>, vector<1x16xi32>,
        %get3A_74 = arith.index_cast %scan3A_42 : i32 to index
        %get3A_75 = arith.constant 48 : index
        %get3A_76 = tpu.vector_load %arg7[%get3A_74, %get3A_75] {strides = array<i32>} : memref<16x128xi32, #tpu.memory_space<vmem>>, vector<1x16xi32>,
        %get3A_77 = vector.shape_cast %get3A_76 : vector<1x16xi32> to vector<16xi32>
        %add3A_78 = vector.broadcast %mul3A_4 : i32 to vector<16xi32>
        %add3A_79 = arith.addi %get3A_77, %add3A_78 : vector<16xi32>
        %swap3A_80 = arith.index_cast %scan3A_42 : i32 to index
        %swap3A_81 = arith.constant 48 : index
        %swap3A_82 = tpu.vector_load %arg7[%swap3A_80, %swap3A_81] {strides = array<i32>} : memref<16x128xi32, #tpu.memory_space<vmem>>, vector<1x16xi32>,
        %swap3A_83 = vector.shape_cast %swap3A_82 : vector<1x16xi32> to vector<16xi32>
        %swap3A_84 = vector.shape_cast %add3A_79 : vector<16xi32> to vector<1x16xi32>
        tpu.vector_store %arg7[%swap3A_80, %swap3A_81], %swap3A_84 {strides = array<i32>} : memref<16x128xi32, #tpu.memory_space<vmem>>, vector<1x16xi32>,
        %get3A_85 = arith.index_cast %scan3A_42 : i32 to index
        %get3A_86 = arith.constant 64 : index
        %get3A_87 = tpu.vector_load %arg7[%get3A_85, %get3A_86] {strides = array<i32>} : memref<16x128xi32, #tpu.memory_space<vmem>>, vector<1x16xi32>,
        %get3A_88 = vector.shape_cast %get3A_87 : vector<1x16xi32> to vector<16xi32>
        %add3A_89 = vector.broadcast %mul3A_4 : i32 to vector<16xi32>
        %add3A_90 = arith.addi %get3A_88, %add3A_89 : vector<16xi32>
        %swap3A_91 = arith.index_cast %scan3A_42 : i32 to index
        %swap3A_92 = arith.constant 64 : index
        %swap3A_93 = tpu.vector_load %arg7[%swap3A_91, %swap3A_92] {strides = array<i32>} : memref<16x128xi32, #tpu.memory_space<vmem>>, vector<1x16xi32>,
        %swap3A_94 = vector.shape_cast %swap3A_93 : vector<1x16xi32> to vector<16xi32>
        %swap3A_95 = vector.shape_cast %add3A_90 : vector<16xi32> to vector<1x16xi32>
        tpu.vector_store %arg7[%swap3A_91, %swap3A_92], %swap3A_95 {strides = array<i32>} : memref<16x128xi32, #tpu.memory_space<vmem>>, vector<1x16xi32>,
        %get3A_96 = arith.index_cast %scan3A_42 : i32 to index
        %get3A_97 = arith.constant 80 : index
        %get3A_98 = tpu.vector_load %arg7[%get3A_96, %get3A_97] {strides = array<i32>} : memref<16x128xi32, #tpu.memory_space<vmem>>, vector<1x16xi32>,
        %get3A_99 = vector.shape_cast %get3A_98 : vector<1x16xi32> to vector<16xi32>
        %add3A_100 = vector.broadcast %mul3A_4 : i32 to vector<16xi32>
        %add3A_101 = arith.addi %get3A_99, %add3A_100 : vector<16xi32>
        %swap3A_102 = arith.index_cast %scan3A_42 : i32 to index
        %swap3A_103 = arith.constant 80 : index
        %swap3A_104 = tpu.vector_load %arg7[%swap3A_102, %swap3A_103] {strides = array<i32>} : memref<16x128xi32, #tpu.memory_space<vmem>>, vector<1x16xi32>,
        %swap3A_105 = vector.shape_cast %swap3A_104 : vector<1x16xi32> to vector<16xi32>
        %swap3A_106 = vector.shape_cast %add3A_101 : vector<16xi32> to vector<1x16xi32>
        tpu.vector_store %arg7[%swap3A_102, %swap3A_103], %swap3A_106 {strides = array<i32>} : memref<16x128xi32, #tpu.memory_space<vmem>>, vector<1x16xi32>,
        %get3A_107 = arith.index_cast %scan3A_42 : i32 to index
        %get3A_108 = arith.constant 96 : index
        %get3A_109 = tpu.vector_load %arg7[%get3A_107, %get3A_108] {strides = array<i32>} : memref<16x128xi32, #tpu.memory_space<vmem>>, vector<1x16xi32>,
        %get3A_110 = vector.shape_cast %get3A_109 : vector<1x16xi32> to vector<16xi32>
        %add3A_111 = vector.broadcast %mul3A_4 : i32 to vector<16xi32>
        %add3A_112 = arith.addi %get3A_110, %add3A_111 : vector<16xi32>
        %swap3A_113 = arith.index_cast %scan3A_42 : i32 to index
        %swap3A_114 = arith.constant 96 : index
        %swap3A_115 = tpu.vector_load %arg7[%swap3A_113, %swap3A_114] {strides = array<i32>} : memref<16x128xi32, #tpu.memory_space<vmem>>, vector<1x16xi32>,
        %swap3A_116 = vector.shape_cast %swap3A_115 : vector<1x16xi32> to vector<16xi32>
        %swap3A_117 = vector.shape_cast %add3A_112 : vector<16xi32> to vector<1x16xi32>
        tpu.vector_store %arg7[%swap3A_113, %swap3A_114], %swap3A_117 {strides = array<i32>} : memref<16x128xi32, #tpu.memory_space<vmem>>, vector<1x16xi32>,
        %get3A_118 = arith.index_cast %scan3A_42 : i32 to index
        %get3A_119 = arith.constant 112 : index
        %get3A_120 = tpu.vector_load %arg7[%get3A_118, %get3A_119] {strides = array<i32>} : memref<16x128xi32, #tpu.memory_space<vmem>>, vector<1x16xi32>,
        %get3A_121 = vector.shape_cast %get3A_120 : vector<1x16xi32> to vector<16xi32>
        %add3A_122 = vector.broadcast %mul3A_4 : i32 to vector<16xi32>
        %add3A_123 = arith.addi %get3A_121, %add3A_122 : vector<16xi32>
        %swap3A_124 = arith.index_cast %scan3A_42 : i32 to index
        %swap3A_125 = arith.constant 112 : index
        %swap3A_126 = tpu.vector_load %arg7[%swap3A_124, %swap3A_125] {strides = array<i32>} : memref<16x128xi32, #tpu.memory_space<vmem>>, vector<1x16xi32>,
        %swap3A_127 = vector.shape_cast %swap3A_126 : vector<1x16xi32> to vector<16xi32>
        %swap3A_128 = vector.shape_cast %add3A_123 : vector<16xi32> to vector<1x16xi32>
        tpu.vector_store %arg7[%swap3A_124, %swap3A_125], %swap3A_128 {strides = array<i32>} : memref<16x128xi32, #tpu.memory_space<vmem>>, vector<1x16xi32>,
      }
      %scan3A_19 = arith.constant 16 : i32
      %mul3A_20 = arith.constant 16 : i32
      %mul3A_21 = arith.muli %scan3A_11, %mul3A_20 : i32
      %dma_start3A = arith.constant 0 : i32
      %dma_start3A_22 = arith.constant 0 : i32
      %dma_start3A_23 = tpu.memref_slice %arg7[%dma_start3A, %dma_start3A_22] : memref<16x128xi32, #tpu.memory_space<vmem>> -> memref<1x128xi32, #tpu.memory_space<vmem>>
      %dma_start3A_24 = tpu.memref_squeeze %dma_start3A_23 : memref<1x128xi32, #tpu.memory_space<vmem>> -> memref<128xi32, #tpu.memory_space<vmem>>
      %dma_start3A_25 = arith.constant 0 : i32
      %dma_start3A_26 = arith.constant 0 : i32
      %dma_start3A_27 = tpu.memref_slice %arg2[%dma_start3A_25, %dma_start3A_26] : memref<20000x128xf32, #tpu.memory_space<hbm>> -> memref<20000x128xf32, #tpu.memory_space<hbm>>
      tpu.enqueue_indirect_dma source(%dma_start3A_27 : memref<20000x128xf32, #tpu.memory_space<hbm>>) target(%arg9 : memref<128x128xf32, #tpu.memory_space<vmem>>) offsets(%dma_start3A_24 : memref<128xi32, #tpu.memory_space<vmem>>) semaphore(%arg12 : memref<!tpu.dma_semaphore, #tpu.memory_space<semaphore_mem>>)
      %scan3A_28 = arith.constant 0 : i32
      %scan3A_29 = arith.constant 0 : i32
      %scan3A_30 = arith.constant 8 : i32
      %scan3A_31 = arith.addi %scan3A_29, %scan3A_30 : i32
      %scan3A_32 = arith.constant 1 : i32
      scf.for %scan3A_42 = %scan3A_29 to %scan3A_31 step %scan3A_32  : i32 {
        %mul3A_43 = arith.constant 2 : i32
        %mul3A_44 = arith.muli %scan3A_42, %mul3A_43 : i32
        %add3A_45 = arith.constant 1 : i32
        %add3A_46 = arith.addi %mul3A_44, %add3A_45 : i32
        %add3A_47 = arith.addi %mul3A_21, %mul3A_44 : i32
        %dma_wait3A_48 = arith.constant 0 : i32
        %dma_wait3A_49 = tpu.memref_slice %arg7[%mul3A_44, %dma_wait3A_48] : memref<16x128xi32, #tpu.memory_space<vmem>> -> memref<1x128xi32, #tpu.memory_space<vmem>>
        %dma_wait3A_50 = tpu.memref_squeeze %dma_wait3A_49 : memref<1x128xi32, #tpu.memory_space<vmem>> -> memref<128xi32, #tpu.memory_space<vmem>>
        %dma_wait3A_51 = arith.constant 0 : i32
        %dma_wait3A_52 = arith.constant 0 : i32
        %dma_wait3A_53 = tpu.memref_slice %arg2[%dma_wait3A_51, %dma_wait3A_52] : memref<20000x128xf32, #tpu.memory_space<hbm>> -> memref<20000x128xf32, #tpu.memory_space<hbm>>
        tpu.wait_indirect_dma semaphore(%arg12 : memref<!tpu.dma_semaphore, #tpu.memory_space<semaphore_mem>>) src(%dma_wait3A_53 : memref<20000x128xf32, #tpu.memory_space<hbm>>) dst(%arg9 : memref<128x128xf32, #tpu.memory_space<vmem>>)
        %add3A_54 = arith.addi %mul3A_21, %mul3A_44 : i32
        %dma_start3A_55 = arith.constant 0 : i32
        %dma_start3A_56 = tpu.memref_slice %arg8[%add3A_54, %dma_start3A_55] : memref<80x128xi32, #tpu.memory_space<vmem>> -> memref<1x128xi32, #tpu.memory_space<vmem>>
        %dma_start3A_57 = tpu.memref_squeeze %dma_start3A_56 : memref<1x128xi32, #tpu.memory_space<vmem>> -> memref<128xi32, #tpu.memory_space<vmem>>
        %dma_start3A_58 = arith.constant 0 : i32
        %dma_start3A_59 = arith.constant 0 : i32
        %dma_start3A_60 = tpu.memref_slice %arg11[%dma_start3A_58, %dma_start3A_59] : memref<10240x128xf32, #tpu.memory_space<vmem_shared>> -> memref<10240x128xf32, #tpu.memory_space<vmem_shared>>
        tpu.enqueue_indirect_dma source(%arg9 : memref<128x128xf32, #tpu.memory_space<vmem>>) target(%dma_start3A_60 : memref<10240x128xf32, #tpu.memory_space<vmem_shared>>) offsets(%dma_start3A_57 : memref<128xi32, #tpu.memory_space<vmem>>) semaphore(%arg14 : memref<!tpu.dma_semaphore, #tpu.memory_space<semaphore_mem>>) {add = true}
        %gt3A = arith.constant 0 : i32
        %gt3A_61 = arith.cmpi sgt, %scan3A_42, %gt3A : i32
        %convert_element_type3A = arith.extui %gt3A_61 : i1 to i32
        %cond3A = arith.constant 0 : i32
        %cond3A_62 = arith.cmpi ne, %convert_element_type3A, %cond3A : i32
        scf.if %cond3A_62 {
          %add3A_95 = arith.addi %mul3A_21, %add3A_46 : i32
          %sub3A_96 = arith.constant 2 : i32
          %sub3A_97 = arith.subi %add3A_95, %sub3A_96 : i32
          %dma_wait3A_98 = arith.constant 0 : i32
          %dma_wait3A_99 = tpu.memref_slice %arg8[%sub3A_97, %dma_wait3A_98] : memref<80x128xi32, #tpu.memory_space<vmem>> -> memref<1x128xi32, #tpu.memory_space<vmem>>
          %dma_wait3A_100 = tpu.memref_squeeze %dma_wait3A_99 : memref<1x128xi32, #tpu.memory_space<vmem>> -> memref<128xi32, #tpu.memory_space<vmem>>
          %dma_wait3A_101 = arith.constant 0 : i32
          %dma_wait3A_102 = arith.constant 0 : i32
          %dma_wait3A_103 = tpu.memref_slice %arg11[%dma_wait3A_101, %dma_wait3A_102] : memref<10240x128xf32, #tpu.memory_space<vmem_shared>> -> memref<10240x128xf32, #tpu.memory_space<vmem_shared>>
          tpu.wait_indirect_dma semaphore(%arg15 : memref<!tpu.dma_semaphore, #tpu.memory_space<semaphore_mem>>) src(%arg10 : memref<128x128xf32, #tpu.memory_space<vmem>>) dst(%dma_wait3A_103 : memref<10240x128xf32, #tpu.memory_space<vmem_shared>>)
        } else {
        }
        %add3A_63 = arith.addi %mul3A_21, %add3A_46 : i32
        %dma_start3A_64 = arith.constant 0 : i32
        %dma_start3A_65 = tpu.memref_slice %arg7[%add3A_46, %dma_start3A_64] : memref<16x128xi32, #tpu.memory_space<vmem>> -> memref<1x128xi32, #tpu.memory_space<vmem>>
        %dma_start3A_66 = tpu.memref_squeeze %dma_start3A_65 : memref<1x128xi32, #tpu.memory_space<vmem>> -> memref<128xi32, #tpu.memory_space<vmem>>
        %dma_start3A_67 = arith.constant 0 : i32
        %dma_start3A_68 = arith.constant 0 : i32
        %dma_start3A_69 = tpu.memref_slice %arg2[%dma_start3A_67, %dma_start3A_68] : memref<20000x128xf32, #tpu.memory_space<hbm>> -> memref<20000x128xf32, #tpu.memory_space<hbm>>
        tpu.enqueue_indirect_dma source(%dma_start3A_69 : memref<20000x128xf32, #tpu.memory_space<hbm>>) target(%arg10 : memref<128x128xf32, #tpu.memory_space<vmem>>) offsets(%dma_start3A_66 : memref<128xi32, #tpu.memory_space<vmem>>) semaphore(%arg13 : memref<!tpu.dma_semaphore, #tpu.memory_space<semaphore_mem>>)
        %add3A_70 = arith.addi %mul3A_21, %add3A_46 : i32
        %dma_wait3A_71 = arith.constant 0 : i32
        %dma_wait3A_72 = tpu.memref_slice %arg7[%add3A_46, %dma_wait3A_71] : memref<16x128xi32, #tpu.memory_space<vmem>> -> memref<1x128xi32, #tpu.memory_space<vmem>>
        %dma_wait3A_73 = tpu.memref_squeeze %dma_wait3A_72 : memref<1x128xi32, #tpu.memory_space<vmem>> -> memref<128xi32, #tpu.memory_space<vmem>>
        %dma_wait3A_74 = arith.constant 0 : i32
        %dma_wait3A_75 = arith.constant 0 : i32
        %dma_wait3A_76 = tpu.memref_slice %arg2[%dma_wait3A_74, %dma_wait3A_75] : memref<20000x128xf32, #tpu.memory_space<hbm>> -> memref<20000x128xf32, #tpu.memory_space<hbm>>
        tpu.wait_indirect_dma semaphore(%arg13 : memref<!tpu.dma_semaphore, #tpu.memory_space<semaphore_mem>>) src(%dma_wait3A_76 : memref<20000x128xf32, #tpu.memory_space<hbm>>) dst(%arg10 : memref<128x128xf32, #tpu.memory_space<vmem>>)
        %add3A_77 = arith.addi %mul3A_21, %add3A_46 : i32
        %dma_start3A_78 = arith.constant 0 : i32
        %dma_start3A_79 = tpu.memref_slice %arg8[%add3A_77, %dma_start3A_78] : memref<80x128xi32, #tpu.memory_space<vmem>> -> memref<1x128xi32, #tpu.memory_space<vmem>>
        %dma_start3A_80 = tpu.memref_squeeze %dma_start3A_79 : memref<1x128xi32, #tpu.memory_space<vmem>> -> memref<128xi32, #tpu.memory_space<vmem>>
        %dma_start3A_81 = arith.constant 0 : i32
        %dma_start3A_82 = arith.constant 0 : i32
        %dma_start3A_83 = tpu.memref_slice %arg11[%dma_start3A_81, %dma_start3A_82] : memref<10240x128xf32, #tpu.memory_space<vmem_shared>> -> memref<10240x128xf32, #tpu.memory_space<vmem_shared>>
        tpu.enqueue_indirect_dma source(%arg10 : memref<128x128xf32, #tpu.memory_space<vmem>>) target(%dma_start3A_83 : memref<10240x128xf32, #tpu.memory_space<vmem_shared>>) offsets(%dma_start3A_80 : memref<128xi32, #tpu.memory_space<vmem>>) semaphore(%arg15 : memref<!tpu.dma_semaphore, #tpu.memory_space<semaphore_mem>>) {add = true}
        %add3A_84 = arith.addi %mul3A_21, %mul3A_44 : i32
        %dma_wait3A_85 = arith.constant 0 : i32
        %dma_wait3A_86 = tpu.memref_slice %arg8[%add3A_84, %dma_wait3A_85] : memref<80x128xi32, #tpu.memory_space<vmem>> -> memref<1x128xi32, #tpu.memory_space<vmem>>
        %dma_wait3A_87 = tpu.memref_squeeze %dma_wait3A_86 : memref<1x128xi32, #tpu.memory_space<vmem>> -> memref<128xi32, #tpu.memory_space<vmem>>
        %dma_wait3A_88 = arith.constant 0 : i32
        %dma_wait3A_89 = arith.constant 0 : i32
        %dma_wait3A_90 = tpu.memref_slice %arg11[%dma_wait3A_88, %dma_wait3A_89] : memref<10240x128xf32, #tpu.memory_space<vmem_shared>> -> memref<10240x128xf32, #tpu.memory_space<vmem_shared>>
        tpu.wait_indirect_dma semaphore(%arg14 : memref<!tpu.dma_semaphore, #tpu.memory_space<semaphore_mem>>) src(%arg9 : memref<128x128xf32, #tpu.memory_space<vmem>>) dst(%dma_wait3A_90 : memref<10240x128xf32, #tpu.memory_space<vmem_shared>>)
        %lt3A = arith.constant 7 : i32
        %lt3A_91 = arith.cmpi slt, %scan3A_42, %lt3A : i32
        %convert_element_type3A_92 = arith.extui %lt3A_91 : i1 to i32
        %cond3A_93 = arith.constant 0 : i32
        %cond3A_94 = arith.cmpi ne, %convert_element_type3A_92, %cond3A_93 : i32
        scf.if %cond3A_94 {
          %add3A_95 = arith.constant 2 : i32
          %add3A_96 = arith.addi %mul3A_44, %add3A_95 : i32
          %add3A_97 = arith.addi %mul3A_21, %mul3A_44 : i32
          %add3A_98 = arith.constant 2 : i32
          %add3A_99 = arith.addi %add3A_97, %add3A_98 : i32
          %dma_start3A_100 = arith.constant 0 : i32
          %dma_start3A_101 = tpu.memref_slice %arg7[%add3A_96, %dma_start3A_100] : memref<16x128xi32, #tpu.memory_space<vmem>> -> memref<1x128xi32, #tpu.memory_space<vmem>>
          %dma_start3A_102 = tpu.memref_squeeze %dma_start3A_101 : memref<1x128xi32, #tpu.memory_space<vmem>> -> memref<128xi32, #tpu.memory_space<vmem>>
          %dma_start3A_103 = arith.constant 0 : i32
          %dma_start3A_104 = arith.constant 0 : i32
          %dma_start3A_105 = tpu.memref_slice %arg2[%dma_start3A_103, %dma_start3A_104] : memref<20000x128xf32, #tpu.memory_space<hbm>> -> memref<20000x128xf32, #tpu.memory_space<hbm>>
          tpu.enqueue_indirect_dma source(%dma_start3A_105 : memref<20000x128xf32, #tpu.memory_space<hbm>>) target(%arg9 : memref<128x128xf32, #tpu.memory_space<vmem>>) offsets(%dma_start3A_102 : memref<128xi32, #tpu.memory_space<vmem>>) semaphore(%arg12 : memref<!tpu.dma_semaphore, #tpu.memory_space<semaphore_mem>>)
        } else {
        }
      }
      %scan3A_33 = arith.constant 8 : i32
      %add3A_34 = arith.constant 16 : i32
      %add3A_35 = arith.addi %mul3A_21, %add3A_34 : i32
      %sub3A = arith.constant 1 : i32
      %sub3A_36 = arith.subi %add3A_35, %sub3A : i32
      %dma_wait3A = arith.constant 0 : i32
      %dma_wait3A_37 = tpu.memref_slice %arg8[%sub3A_36, %dma_wait3A] : memref<80x128xi32, #tpu.memory_space<vmem>> -> memref<1x128xi32, #tpu.memory_space<vmem>>
      %dma_wait3A_38 = tpu.memref_squeeze %dma_wait3A_37 : memref<1x128xi32, #tpu.memory_space<vmem>> -> memref<128xi32, #tpu.memory_space<vmem>>
      %dma_wait3A_39 = arith.constant 0 : i32
      %dma_wait3A_40 = arith.constant 0 : i32
      %dma_wait3A_41 = tpu.memref_slice %arg11[%dma_wait3A_39, %dma_wait3A_40] : memref<10240x128xf32, #tpu.memory_space<vmem_shared>> -> memref<10240x128xf32, #tpu.memory_space<vmem_shared>>
      tpu.wait_indirect_dma semaphore(%arg15 : memref<!tpu.dma_semaphore, #tpu.memory_space<semaphore_mem>>) src(%arg10 : memref<128x128xf32, #tpu.memory_space<vmem>>) dst(%dma_wait3A_41 : memref<10240x128xf32, #tpu.memory_space<vmem_shared>>)
    }
    %scan3A_9 = arith.constant 5 : i32
    %barrier3A_10 = arith.constant 0 : index
    tpu.barrier barrier_id(%barrier3A_10)
    "tpu.region"() ({
      %run_scoped3A = tpu.sem_alloc : memref<!tpu.dma_semaphore, #tpu.memory_space<semaphore_mem>>
      %dma_start3A = arith.constant 0 : i32
      %dma_start3A_11 = tpu.memref_slice %arg6[%arg0, %mul3A_0, %dma_start3A] : memref<2x10240x128xf32, #tpu.memory_space<hbm>> -> memref<1x640x128xf32, #tpu.memory_space<hbm>>
      %dma_start3A_12 = tpu.memref_squeeze %dma_start3A_11 : memref<1x640x128xf32, #tpu.memory_space<hbm>> -> memref<640x128xf32, #tpu.memory_space<hbm>>
      %dma_start3A_13 = arith.constant 0 : i32
      %dma_start3A_14 = tpu.memref_slice %arg11[%mul3A_0, %dma_start3A_13] : memref<10240x128xf32, #tpu.memory_space<vmem_shared>> -> memref<640x128xf32, #tpu.memory_space<vmem_shared>>
      tpu.enqueue_dma source(%dma_start3A_14 : memref<640x128xf32, #tpu.memory_space<vmem_shared>>) target(%dma_start3A_12 : memref<640x128xf32, #tpu.memory_space<hbm>>) target_semaphore(%run_scoped3A : memref<!tpu.dma_semaphore, #tpu.memory_space<semaphore_mem>>)
      %dma_wait3A = arith.constant 0 : i32
      %dma_wait3A_15 = tpu.memref_slice %arg6[%arg0, %mul3A_0, %dma_wait3A] : memref<2x10240x128xf32, #tpu.memory_space<hbm>> -> memref<1x640x128xf32, #tpu.memory_space<hbm>>
      %dma_wait3A_16 = tpu.memref_squeeze %dma_wait3A_15 : memref<1x640x128xf32, #tpu.memory_space<hbm>> -> memref<640x128xf32, #tpu.memory_space<hbm>>
      %dma_wait3A_17 = arith.constant 0 : i32
      %dma_wait3A_18 = tpu.memref_slice %arg11[%mul3A_0, %dma_wait3A_17] : memref<10240x128xf32, #tpu.memory_space<vmem_shared>> -> memref<640x128xf32, #tpu.memory_space<vmem_shared>>
      tpu.wait_dma2 semaphore(%run_scoped3A : memref<!tpu.dma_semaphore, #tpu.memory_space<semaphore_mem>>) src(%dma_wait3A_18 : memref<640x128xf32, #tpu.memory_space<vmem_shared>>) dst(%dma_wait3A_16 : memref<640x128xf32, #tpu.memory_space<hbm>>)
      tpu.yield
    }) : () -> ()
    return
  }
}

module attributes {stable_mosaic.version = 14 : i64} {
  func.func @_prep_body(%arg0: i32, %arg1: memref<1000x256xf32, #tpu.memory_space<vmem>>, %arg2: memref<256x256xf32, #tpu.memory_space<vmem>>, %arg3: memref<1000x1xf32, #tpu.memory_space<vmem>>, %arg4: memref<1000x1xf32, #tpu.memory_space<vmem>>, %arg5: memref<2x1000x128xf32, #tpu.memory_space<vmem>>, %arg6: memref<1000x1xf32, #tpu.memory_space<vmem>>) attributes {dimension_semantics = [#tpu.dimension_semantics<arbitrary>], iteration_bounds = array<i64: 10>, scalar_prefetch = 0 : i64, scratch_operands = 0 : i64, tpu.core_type = #tpu.core_type<tc>, window_params = [{transform_indices = @transform_0, window_bounds = array<i64: 1000, 256>}, {pipeline_mode = #tpu.pipeline_mode<synchronous>, transform_indices = @transform_1, window_bounds = array<i64: 256, 256>}, {transform_indices = @transform_2, window_bounds = array<i64: 1000, 1>}, {transform_indices = @transform_3, window_bounds = array<i64: 1000, 1>}, {transform_indices = @transform_4, window_bounds = array<i64: 2, 1000, 128>}, {transform_indices = @transform_5, window_bounds = array<i64: 1000, 1>}]} {
    %get3A = arith.constant 0 : index
    %get3A_0 = arith.constant 0 : index
    %get3A_1 = vector.load %arg3[%get3A, %get3A_0] : memref<1000x1xf32, #tpu.memory_space<vmem>>, vector<1000x1xf32>
    %get3A_2 = arith.constant 0 : index
    %get3A_3 = arith.constant 0 : index
    %get3A_4 = vector.load %arg4[%get3A_2, %get3A_3] : memref<1000x1xf32, #tpu.memory_space<vmem>>, vector<1000x1xf32>
    %add3A = arith.addf %get3A_1, %get3A_4 : vector<1000x1xf32>
    %add3A_5 = arith.constant 1.000000e+00 : f32
    %add3A_6 = vector.broadcast %add3A_5 : f32 to vector<1000x1xf32>
    %add3A_7 = arith.addf %add3A, %add3A_6 : vector<1000x1xf32>
    %rsqrt3A = math.rsqrt %add3A_7 : vector<1000x1xf32>
    %get3A_8 = arith.constant 0 : index
    %get3A_9 = arith.constant 0 : index
    %get3A_10 = vector.load %arg1[%get3A_8, %get3A_9] : memref<1000x256xf32, #tpu.memory_space<vmem>>, vector<1000x256xf32>
    %get3A_11 = arith.constant 0 : index
    %get3A_12 = arith.constant 0 : index
    %get3A_13 = vector.load %arg2[%get3A_11, %get3A_12] : memref<256x256xf32, #tpu.memory_space<vmem>>, vector<256x256xf32>
    %dot_general3A = arith.constant dense<0.000000e+00> : vector<1000x256xf32>
    %dot_general3A_14 = tpu.matmul %get3A_10, %get3A_13, %dot_general3A {dimension_numbers = #tpu.dot_dimension_numbers<[1], [0], [0], [1], [0, 0, 1, 1], [], []>, transpose_lhs_hint = false} : vector<1000x256xf32>, vector<256x256xf32>, vector<1000x256xf32> -> vector<1000x256xf32>
    %mul3A = vector.broadcast %rsqrt3A : vector<1000x1xf32> to vector<1000x256xf32>
    %mul3A_15 = arith.mulf %dot_general3A_14, %mul3A : vector<1000x256xf32>
    %slice3A = vector.extract_strided_slice %mul3A_15 {offsets = [0, 0], sizes = [1000, 128], strides = [1, 1]} : vector<1000x256xf32> to vector<1000x128xf32>
    %swap3A = arith.constant 0 : index
    %swap3A_16 = arith.constant 0 : index
    %swap3A_17 = arith.constant 0 : index
    %swap3A_18 = vector.load %arg5[%swap3A, %swap3A_16, %swap3A_17] : memref<2x1000x128xf32, #tpu.memory_space<vmem>>, vector<1x1000x128xf32>
    %swap3A_19 = vector.shape_cast %swap3A_18 : vector<1x1000x128xf32> to vector<1000x128xf32>
    %swap3A_20 = vector.shape_cast %slice3A : vector<1000x128xf32> to vector<1x1000x128xf32>
    tpu.vector_store %arg5[%swap3A, %swap3A_16, %swap3A_17], %swap3A_20 {strides = array<i32>} : memref<2x1000x128xf32, #tpu.memory_space<vmem>>, vector<1x1000x128xf32>,
    %slice3A_21 = vector.extract_strided_slice %mul3A_15 {offsets = [0, 128], sizes = [1000, 128], strides = [1, 1]} : vector<1000x256xf32> to vector<1000x128xf32>
    %swap3A_22 = arith.constant 1 : index
    %swap3A_23 = arith.constant 0 : index
    %swap3A_24 = arith.constant 0 : index
    %swap3A_25 = vector.load %arg5[%swap3A_22, %swap3A_23, %swap3A_24] : memref<2x1000x128xf32, #tpu.memory_space<vmem>>, vector<1x1000x128xf32>
    %swap3A_26 = vector.shape_cast %swap3A_25 : vector<1x1000x128xf32> to vector<1000x128xf32>
    %swap3A_27 = vector.shape_cast %slice3A_21 : vector<1000x128xf32> to vector<1x1000x128xf32>
    tpu.vector_store %arg5[%swap3A_22, %swap3A_23, %swap3A_24], %swap3A_27 {strides = array<i32>} : memref<2x1000x128xf32, #tpu.memory_space<vmem>>, vector<1x1000x128xf32>,
    %swap3A_28 = arith.constant 0 : index
    %swap3A_29 = arith.constant 0 : index
    %swap3A_30 = vector.load %arg6[%swap3A_28, %swap3A_29] : memref<1000x1xf32, #tpu.memory_space<vmem>>, vector<1000x1xf32>
    tpu.vector_store %arg6[%swap3A_28, %swap3A_29], %rsqrt3A {strides = array<i32>} : memref<1000x1xf32, #tpu.memory_space<vmem>>, vector<1000x1xf32>,
    return
  }
  func.func @transform_0(%arg0: i32) -> (i32, i32) {
    %c0_i32 = arith.constant 0 : i32
    %c0_i32_0 = arith.constant 0 : i32
    return %arg0, %c0_i32 : i32, i32
  }
  func.func @transform_1(%arg0: i32) -> (i32, i32) {
    %c0_i32 = arith.constant 0 : i32
    %c0_i32_0 = arith.constant 0 : i32
    %c0_i32_1 = arith.constant 0 : i32
    return %c0_i32, %c0_i32_0 : i32, i32
  }
  func.func @transform_2(%arg0: i32) -> (i32, i32) {
    %c0_i32 = arith.constant 0 : i32
    %c0_i32_0 = arith.constant 0 : i32
    return %arg0, %c0_i32 : i32, i32
  }
  func.func @transform_3(%arg0: i32) -> (i32, i32) {
    %c0_i32 = arith.constant 0 : i32
    %c0_i32_0 = arith.constant 0 : i32
    return %arg0, %c0_i32 : i32, i32
  }
  func.func @transform_4(%arg0: i32) -> (i32, i32, i32) {
    %c0_i32 = arith.constant 0 : i32
    %c0_i32_0 = arith.constant 0 : i32
    %c0_i32_1 = arith.constant 0 : i32
    return %c0_i32, %arg0, %c0_i32_0 : i32, i32, i32
  }
  func.func @transform_5(%arg0: i32) -> (i32, i32) {
    %c0_i32 = arith.constant 0 : i32
    %c0_i32_0 = arith.constant 0 : i32
    return %arg0, %c0_i32 : i32, i32
  }
}

module attributes {stable_mosaic.version = 14 : i64} {
  func.func @_mid_body(%arg0: i32, %arg1: memref<2x1000x128xf32, #tpu.memory_space<vmem>>, %arg2: memref<2x1000x128xf32, #tpu.memory_space<vmem>>, %arg3: memref<1000x1xf32, #tpu.memory_space<vmem>>, %arg4: memref<1x256xf32, #tpu.memory_space<vmem>>, %arg5: memref<256x256xf32, #tpu.memory_space<vmem>>, %arg6: memref<2x1000x128xf32, #tpu.memory_space<vmem>>) attributes {dimension_semantics = [#tpu.dimension_semantics<arbitrary>], iteration_bounds = array<i64: 10>, scalar_prefetch = 0 : i64, scratch_operands = 0 : i64, tpu.core_type = #tpu.core_type<tc>, window_params = [{transform_indices = @transform_0, window_bounds = array<i64: 2, 1000, 128>}, {transform_indices = @transform_1, window_bounds = array<i64: 2, 1000, 128>}, {transform_indices = @transform_2, window_bounds = array<i64: 1000, 1>}, {pipeline_mode = #tpu.pipeline_mode<synchronous>, transform_indices = @transform_3, window_bounds = array<i64: 1, 256>}, {pipeline_mode = #tpu.pipeline_mode<synchronous>, transform_indices = @transform_4, window_bounds = array<i64: 256, 256>}, {transform_indices = @transform_5, window_bounds = array<i64: 2, 1000, 128>}]} {
    %get3A = arith.constant 0 : index
    %get3A_0 = arith.constant 0 : index
    %get3A_1 = vector.load %arg3[%get3A, %get3A_0] : memref<1000x1xf32, #tpu.memory_space<vmem>>, vector<1000x1xf32>
    %get3A_2 = arith.constant 0 : index
    %get3A_3 = arith.constant 0 : index
    %get3A_4 = vector.load %arg4[%get3A_2, %get3A_3] : memref<1x256xf32, #tpu.memory_space<vmem>>, vector<1x256xf32>
    %get3A_5 = arith.constant 0 : index
    %get3A_6 = arith.constant 0 : index
    %get3A_7 = arith.constant 0 : index
    %get3A_8 = vector.load %arg1[%get3A_5, %get3A_6, %get3A_7] : memref<2x1000x128xf32, #tpu.memory_space<vmem>>, vector<1x1000x128xf32>
    %get3A_9 = vector.shape_cast %get3A_8 : vector<1x1000x128xf32> to vector<1000x128xf32>
    %get3A_10 = arith.constant 0 : index
    %get3A_11 = arith.constant 0 : index
    %get3A_12 = arith.constant 0 : index
    %get3A_13 = vector.load %arg2[%get3A_10, %get3A_11, %get3A_12] : memref<2x1000x128xf32, #tpu.memory_space<vmem>>, vector<1x1000x128xf32>
    %get3A_14 = vector.shape_cast %get3A_13 : vector<1x1000x128xf32> to vector<1000x128xf32>
    %add3A = arith.addf %get3A_9, %get3A_14 : vector<1000x128xf32>
    %mul3A = vector.broadcast %get3A_1 : vector<1000x1xf32> to vector<1000x128xf32>
    %mul3A_15 = arith.mulf %mul3A, %add3A : vector<1000x128xf32>
    %slice3A = vector.extract_strided_slice %get3A_4 {offsets = [0, 0], sizes = [1, 128], strides = [1, 1]} : vector<1x256xf32> to vector<1x128xf32>
    %add3A_16 = vector.broadcast %slice3A : vector<1x128xf32> to vector<1000x128xf32>
    %add3A_17 = arith.addf %mul3A_15, %add3A_16 : vector<1000x128xf32>
    %gt3A = arith.constant 0.000000e+00 : f32
    %gt3A_18 = vector.broadcast %gt3A : f32 to vector<1000x128xf32>
    %gt3A_19 = arith.cmpf ogt, %add3A_17, %gt3A_18 : vector<1000x128xf32>
    %mul3A_20 = arith.constant 0.00999999977 : f32
    %mul3A_21 = vector.broadcast %mul3A_20 : f32 to vector<1000x128xf32>
    %mul3A_22 = arith.mulf %mul3A_21, %add3A_17 : vector<1000x128xf32>
    %select_n3A = arith.select %gt3A_19, %add3A_17, %mul3A_22 : vector<1000x128xi1>, vector<1000x128xf32>
    %get3A_23 = arith.constant 1 : index
    %get3A_24 = arith.constant 0 : index
    %get3A_25 = arith.constant 0 : index
    %get3A_26 = vector.load %arg1[%get3A_23, %get3A_24, %get3A_25] : memref<2x1000x128xf32, #tpu.memory_space<vmem>>, vector<1x1000x128xf32>
    %get3A_27 = vector.shape_cast %get3A_26 : vector<1x1000x128xf32> to vector<1000x128xf32>
    %get3A_28 = arith.constant 1 : index
    %get3A_29 = arith.constant 0 : index
    %get3A_30 = arith.constant 0 : index
    %get3A_31 = vector.load %arg2[%get3A_28, %get3A_29, %get3A_30] : memref<2x1000x128xf32, #tpu.memory_space<vmem>>, vector<1x1000x128xf32>
    %get3A_32 = vector.shape_cast %get3A_31 : vector<1x1000x128xf32> to vector<1000x128xf32>
    %add3A_33 = arith.addf %get3A_27, %get3A_32 : vector<1000x128xf32>
    %mul3A_34 = vector.broadcast %get3A_1 : vector<1000x1xf32> to vector<1000x128xf32>
    %mul3A_35 = arith.mulf %mul3A_34, %add3A_33 : vector<1000x128xf32>
    %slice3A_36 = vector.extract_strided_slice %get3A_4 {offsets = [0, 128], sizes = [1, 128], strides = [1, 1]} : vector<1x256xf32> to vector<1x128xf32>
    %add3A_37 = vector.broadcast %slice3A_36 : vector<1x128xf32> to vector<1000x128xf32>
    %add3A_38 = arith.addf %mul3A_35, %add3A_37 : vector<1000x128xf32>
    %gt3A_39 = arith.constant 0.000000e+00 : f32
    %gt3A_40 = vector.broadcast %gt3A_39 : f32 to vector<1000x128xf32>
    %gt3A_41 = arith.cmpf ogt, %add3A_38, %gt3A_40 : vector<1000x128xf32>
    %mul3A_42 = arith.constant 0.00999999977 : f32
    %mul3A_43 = vector.broadcast %mul3A_42 : f32 to vector<1000x128xf32>
    %mul3A_44 = arith.mulf %mul3A_43, %add3A_38 : vector<1000x128xf32>
    %select_n3A_45 = arith.select %gt3A_41, %add3A_38, %mul3A_44 : vector<1000x128xi1>, vector<1000x128xf32>
    %get3A_46 = arith.constant 0 : index
    %get3A_47 = arith.constant 0 : index
    %get3A_48 = vector.load %arg5[%get3A_46, %get3A_47] : memref<256x256xf32, #tpu.memory_space<vmem>>, vector<256x256xf32>
    %slice3A_49 = vector.extract_strided_slice %get3A_48 {offsets = [0, 0], sizes = [128, 256], strides = [1, 1]} : vector<256x256xf32> to vector<128x256xf32>
    %dot_general3A = arith.constant dense<0.000000e+00> : vector<1000x256xf32>
    %dot_general3A_50 = tpu.matmul %select_n3A, %slice3A_49, %dot_general3A {dimension_numbers = #tpu.dot_dimension_numbers<[1], [0], [0], [1], [0, 0, 1, 1], [], []>, transpose_lhs_hint = false} : vector<1000x128xf32>, vector<128x256xf32>, vector<1000x256xf32> -> vector<1000x256xf32>
    %slice3A_51 = vector.extract_strided_slice %get3A_48 {offsets = [128, 0], sizes = [128, 256], strides = [1, 1]} : vector<256x256xf32> to vector<128x256xf32>
    %dot_general3A_52 = arith.constant dense<0.000000e+00> : vector<1000x256xf32>
    %dot_general3A_53 = tpu.matmul %select_n3A_45, %slice3A_51, %dot_general3A_52 {dimension_numbers = #tpu.dot_dimension_numbers<[1], [0], [0], [1], [0, 0, 1, 1], [], []>, transpose_lhs_hint = false} : vector<1000x128xf32>, vector<128x256xf32>, vector<1000x256xf32> -> vector<1000x256xf32>
    %add3A_54 = arith.addf %dot_general3A_50, %dot_general3A_53 : vector<1000x256xf32>
    %mul3A_55 = vector.broadcast %get3A_1 : vector<1000x1xf32> to vector<1000x256xf32>
    %mul3A_56 = arith.mulf %add3A_54, %mul3A_55 : vector<1000x256xf32>
    %slice3A_57 = vector.extract_strided_slice %mul3A_56 {offsets = [0, 0], sizes = [1000, 128], strides = [1, 1]} : vector<1000x256xf32> to vector<1000x128xf32>
    %swap3A = arith.constant 0 : index
    %swap3A_58 = arith.constant 0 : index
    %swap3A_59 = arith.constant 0 : index
    %swap3A_60 = vector.load %arg6[%swap3A, %swap3A_58, %swap3A_59] : memref<2x1000x128xf32, #tpu.memory_space<vmem>>, vector<1x1000x128xf32>
    %swap3A_61 = vector.shape_cast %swap3A_60 : vector<1x1000x128xf32> to vector<1000x128xf32>
    %swap3A_62 = vector.shape_cast %slice3A_57 : vector<1000x128xf32> to vector<1x1000x128xf32>
    tpu.vector_store %arg6[%swap3A, %swap3A_58, %swap3A_59], %swap3A_62 {strides = array<i32>} : memref<2x1000x128xf32, #tpu.memory_space<vmem>>, vector<1x1000x128xf32>,
    %slice3A_63 = vector.extract_strided_slice %mul3A_56 {offsets = [0, 128], sizes = [1000, 128], strides = [1, 1]} : vector<1000x256xf32> to vector<1000x128xf32>
    %swap3A_64 = arith.constant 1 : index
    %swap3A_65 = arith.constant 0 : index
    %swap3A_66 = arith.constant 0 : index
    %swap3A_67 = vector.load %arg6[%swap3A_64, %swap3A_65, %swap3A_66] : memref<2x1000x128xf32, #tpu.memory_space<vmem>>, vector<1x1000x128xf32>
    %swap3A_68 = vector.shape_cast %swap3A_67 : vector<1x1000x128xf32> to vector<1000x128xf32>
    %swap3A_69 = vector.shape_cast %slice3A_63 : vector<1000x128xf32> to vector<1x1000x128xf32>
    tpu.vector_store %arg6[%swap3A_64, %swap3A_65, %swap3A_66], %swap3A_69 {strides = array<i32>} : memref<2x1000x128xf32, #tpu.memory_space<vmem>>, vector<1x1000x128xf32>,
    return
  }
  func.func @transform_0(%arg0: i32) -> (i32, i32, i32) {
    %c0_i32 = arith.constant 0 : i32
    %c0_i32_0 = arith.constant 0 : i32
    %c0_i32_1 = arith.constant 0 : i32
    return %c0_i32, %arg0, %c0_i32_0 : i32, i32, i32
  }
  func.func @transform_1(%arg0: i32) -> (i32, i32, i32) {
    %c0_i32 = arith.constant 0 : i32
    %c0_i32_0 = arith.constant 0 : i32
    %c0_i32_1 = arith.constant 0 : i32
    return %c0_i32, %arg0, %c0_i32_0 : i32, i32, i32
  }
  func.func @transform_2(%arg0: i32) -> (i32, i32) {
    %c0_i32 = arith.constant 0 : i32
    %c0_i32_0 = arith.constant 0 : i32
    return %arg0, %c0_i32 : i32, i32
  }
  func.func @transform_3(%arg0: i32) -> (i32, i32) {
    %c0_i32 = arith.constant 0 : i32
    %c0_i32_0 = arith.constant 0 : i32
    %c0_i32_1 = arith.constant 0 : i32
    return %c0_i32, %c0_i32_0 : i32, i32
  }
  func.func @transform_4(%arg0: i32) -> (i32, i32) {
    %c0_i32 = arith.constant 0 : i32
    %c0_i32_0 = arith.constant 0 : i32
    %c0_i32_1 = arith.constant 0 : i32
    return %c0_i32, %c0_i32_0 : i32, i32
  }
  func.func @transform_5(%arg0: i32) -> (i32, i32, i32) {
    %c0_i32 = arith.constant 0 : i32
    %c0_i32_0 = arith.constant 0 : i32
    %c0_i32_1 = arith.constant 0 : i32
    return %c0_i32, %arg0, %c0_i32_0 : i32, i32, i32
  }
}

module attributes {stable_mosaic.version = 14 : i64} {
  func.func @_final_body(%arg0: i32, %arg1: memref<2x1000x128xf32, #tpu.memory_space<vmem>>, %arg2: memref<2x1000x128xf32, #tpu.memory_space<vmem>>, %arg3: memref<1000x1xf32, #tpu.memory_space<vmem>>, %arg4: memref<1x256xf32, #tpu.memory_space<vmem>>, %arg5: memref<1000x256xf32, #tpu.memory_space<vmem>>) attributes {dimension_semantics = [#tpu.dimension_semantics<arbitrary>], iteration_bounds = array<i64: 10>, scalar_prefetch = 0 : i64, scratch_operands = 0 : i64, tpu.core_type = #tpu.core_type<tc>, window_params = [{transform_indices = @transform_0, window_bounds = array<i64: 2, 1000, 128>}, {transform_indices = @transform_1, window_bounds = array<i64: 2, 1000, 128>}, {transform_indices = @transform_2, window_bounds = array<i64: 1000, 1>}, {pipeline_mode = #tpu.pipeline_mode<synchronous>, transform_indices = @transform_3, window_bounds = array<i64: 1, 256>}, {transform_indices = @transform_4, window_bounds = array<i64: 1000, 256>}]} {
    %get3A = arith.constant 0 : index
    %get3A_0 = arith.constant 0 : index
    %get3A_1 = vector.load %arg3[%get3A, %get3A_0] : memref<1000x1xf32, #tpu.memory_space<vmem>>, vector<1000x1xf32>
    %get3A_2 = arith.constant 0 : index
    %get3A_3 = arith.constant 0 : index
    %get3A_4 = vector.load %arg4[%get3A_2, %get3A_3] : memref<1x256xf32, #tpu.memory_space<vmem>>, vector<1x256xf32>
    %get3A_5 = arith.constant 0 : index
    %get3A_6 = arith.constant 0 : index
    %get3A_7 = arith.constant 0 : index
    %get3A_8 = vector.load %arg1[%get3A_5, %get3A_6, %get3A_7] : memref<2x1000x128xf32, #tpu.memory_space<vmem>>, vector<1x1000x128xf32>
    %get3A_9 = vector.shape_cast %get3A_8 : vector<1x1000x128xf32> to vector<1000x128xf32>
    %get3A_10 = arith.constant 0 : index
    %get3A_11 = arith.constant 0 : index
    %get3A_12 = arith.constant 0 : index
    %get3A_13 = vector.load %arg2[%get3A_10, %get3A_11, %get3A_12] : memref<2x1000x128xf32, #tpu.memory_space<vmem>>, vector<1x1000x128xf32>
    %get3A_14 = vector.shape_cast %get3A_13 : vector<1x1000x128xf32> to vector<1000x128xf32>
    %add3A = arith.addf %get3A_9, %get3A_14 : vector<1000x128xf32>
    %mul3A = vector.broadcast %get3A_1 : vector<1000x1xf32> to vector<1000x128xf32>
    %mul3A_15 = arith.mulf %mul3A, %add3A : vector<1000x128xf32>
    %slice3A = vector.extract_strided_slice %get3A_4 {offsets = [0, 0], sizes = [1, 128], strides = [1, 1]} : vector<1x256xf32> to vector<1x128xf32>
    %add3A_16 = vector.broadcast %slice3A : vector<1x128xf32> to vector<1000x128xf32>
    %add3A_17 = arith.addf %mul3A_15, %add3A_16 : vector<1000x128xf32>
    %gt3A = arith.constant 0.000000e+00 : f32
    %gt3A_18 = vector.broadcast %gt3A : f32 to vector<1000x128xf32>
    %gt3A_19 = arith.cmpf ogt, %add3A_17, %gt3A_18 : vector<1000x128xf32>
    %mul3A_20 = arith.constant 0.00999999977 : f32
    %mul3A_21 = vector.broadcast %mul3A_20 : f32 to vector<1000x128xf32>
    %mul3A_22 = arith.mulf %mul3A_21, %add3A_17 : vector<1000x128xf32>
    %select_n3A = arith.select %gt3A_19, %add3A_17, %mul3A_22 : vector<1000x128xi1>, vector<1000x128xf32>
    %swap3A = arith.constant 0 : index
    %swap3A_23 = arith.constant 0 : index
    %swap3A_24 = vector.load %arg5[%swap3A, %swap3A_23] : memref<1000x256xf32, #tpu.memory_space<vmem>>, vector<1000x128xf32>
    tpu.vector_store %arg5[%swap3A, %swap3A_23], %select_n3A {strides = array<i32>} : memref<1000x256xf32, #tpu.memory_space<vmem>>, vector<1000x128xf32>,
    %get3A_25 = arith.constant 1 : index
    %get3A_26 = arith.constant 0 : index
    %get3A_27 = arith.constant 0 : index
    %get3A_28 = vector.load %arg1[%get3A_25, %get3A_26, %get3A_27] : memref<2x1000x128xf32, #tpu.memory_space<vmem>>, vector<1x1000x128xf32>
    %get3A_29 = vector.shape_cast %get3A_28 : vector<1x1000x128xf32> to vector<1000x128xf32>
    %get3A_30 = arith.constant 1 : index
    %get3A_31 = arith.constant 0 : index
    %get3A_32 = arith.constant 0 : index
    %get3A_33 = vector.load %arg2[%get3A_30, %get3A_31, %get3A_32] : memref<2x1000x128xf32, #tpu.memory_space<vmem>>, vector<1x1000x128xf32>
    %get3A_34 = vector.shape_cast %get3A_33 : vector<1x1000x128xf32> to vector<1000x128xf32>
    %add3A_35 = arith.addf %get3A_29, %get3A_34 : vector<1000x128xf32>
    %mul3A_36 = vector.broadcast %get3A_1 : vector<1000x1xf32> to vector<1000x128xf32>
    %mul3A_37 = arith.mulf %mul3A_36, %add3A_35 : vector<1000x128xf32>
    %slice3A_38 = vector.extract_strided_slice %get3A_4 {offsets = [0, 128], sizes = [1, 128], strides = [1, 1]} : vector<1x256xf32> to vector<1x128xf32>
    %add3A_39 = vector.broadcast %slice3A_38 : vector<1x128xf32> to vector<1000x128xf32>
    %add3A_40 = arith.addf %mul3A_37, %add3A_39 : vector<1000x128xf32>
    %gt3A_41 = arith.constant 0.000000e+00 : f32
    %gt3A_42 = vector.broadcast %gt3A_41 : f32 to vector<1000x128xf32>
    %gt3A_43 = arith.cmpf ogt, %add3A_40, %gt3A_42 : vector<1000x128xf32>
    %mul3A_44 = arith.constant 0.00999999977 : f32
    %mul3A_45 = vector.broadcast %mul3A_44 : f32 to vector<1000x128xf32>
    %mul3A_46 = arith.mulf %mul3A_45, %add3A_40 : vector<1000x128xf32>
    %select_n3A_47 = arith.select %gt3A_43, %add3A_40, %mul3A_46 : vector<1000x128xi1>, vector<1000x128xf32>
    %swap3A_48 = arith.constant 0 : index
    %swap3A_49 = arith.constant 128 : index
    %swap3A_50 = vector.load %arg5[%swap3A_48, %swap3A_49] : memref<1000x256xf32, #tpu.memory_space<vmem>>, vector<1000x128xf32>
    tpu.vector_store %arg5[%swap3A_48, %swap3A_49], %select_n3A_47 {strides = array<i32>} : memref<1000x256xf32, #tpu.memory_space<vmem>>, vector<1000x128xf32>,
    return
  }
  func.func @transform_0(%arg0: i32) -> (i32, i32, i32) {
    %c0_i32 = arith.constant 0 : i32
    %c0_i32_0 = arith.constant 0 : i32
    %c0_i32_1 = arith.constant 0 : i32
    return %c0_i32, %arg0, %c0_i32_0 : i32, i32, i32
  }
  func.func @transform_1(%arg0: i32) -> (i32, i32, i32) {
    %c0_i32 = arith.constant 0 : i32
    %c0_i32_0 = arith.constant 0 : i32
    %c0_i32_1 = arith.constant 0 : i32
    return %c0_i32, %arg0, %c0_i32_0 : i32, i32, i32
  }
  func.func @transform_2(%arg0: i32) -> (i32, i32) {
    %c0_i32 = arith.constant 0 : i32
    %c0_i32_0 = arith.constant 0 : i32
    return %arg0, %c0_i32 : i32, i32
  }
  func.func @transform_3(%arg0: i32) -> (i32, i32) {
    %c0_i32 = arith.constant 0 : i32
    %c0_i32_0 = arith.constant 0 : i32
    %c0_i32_1 = arith.constant 0 : i32
    return %c0_i32, %c0_i32_0 : i32, i32
  }
  func.func @transform_4(%arg0: i32) -> (i32, i32) {
    %c0_i32 = arith.constant 0 : i32
    %c0_i32_0 = arith.constant 0 : i32
    return %arg0, %c0_i32 : i32, i32
  }
}

</mosaic_0001>

<sc_bundles>
// kernel: kernel.11.cloned.1.call-start
scs
__scs_entry_jumppad:
0x0: {  	(pc) =	sbr.rel $0x88, $3  }
0x1: {  	(tag) =	ssettag $0x0;
	lr =	simm.s32 $0x1  }
0x2: {  	[smem:$0x3F9B] =	sst lr;
	_ =	strace $0xD0000000  }
0x3: {  	_ = 	snop  }
0x4: {  	_ = 	snop  }
0x5: {  	_ = 	snop  }
0x6: {  	_ = 	snop  }
0x7: {  	_ = 	snop  }
__scs_overlays_trampoline_lowered:
0x8: {  	[smem:$0x3FAA] =	sst s0  }
0x9: {  	[smem:$0x3FAB] =	sst s1  }
0xa: {  	[smem:$0x3FAC] =	sst s2  }
0xb: {  	[smem:$0x3FAD] =	sst s3  }
0xc: {  	[smem:$0x3FAE] =	sst s4  }
0xd: {  	[smem:$0x3FAF] =	sst s5  }
0xe: {  	[smem:$0x3FB0] =	sst s6  }
0xf: {  	[smem:$0x3FB1] =	sst s7  }
0x10: {  	[smem:$0x3FB2] =	sst s8  }
0x11: {  	[smem:$0x3FB3] =	sst s9;
	s0 =	simm.s32 @!p0 $0x0  }
0x12: {  	s1 =	sld [smem:$0x3F99];
	s0 =	simm.s32 @p0 $0x1  }
0x13: {  	[smem:$0x3FB4] =	sst s0;
	s0 =	simm.s32 @!p1 $0x0  }
0x14: {  	s2 =	sld [smem:$0x3F98];
	s0 =	simm.s32 @p1 $0x1  }
0x15: {  	[smem:$0x3FB5] =	sst s0;
	s0 =	simm.s32 @!p2 $0x0  }
0x16: {  	s3 =	sld [smem:$0x3FDB];
	s0 =	simm.s32 @p2 $0x1  }
0x17: {  	s4 =	simm.s32 $0x1BF5;
	[smem:$0x3FB7] =	sst s0  }
0x18: {  	s0 =	sld [smem:$0x3F9A];
	_ =	swait.ge [sflag:s4], $0x0  }
0x19: {  	s7 =	sld [smem:$0x3F9B]  }
0x1a: {  	s8 =	sadd.s32 $0xFFFFE003, lr  }
0x1b: {  	s9 =	sadd.s32 $0xFFFFFEF7, lr;
	s5 =	simm.s32 $0xFFFFFFFF;
	p2 =	slt.u32 s8, $0xFFFFF086  }
0x1c: {  	p1 =	slt.u32 s9, $0xF7A;
	s5 =	simm.s32 @!p2 $0x0  }
0x1d: {  	s5 =	simm.s32 @p1 $0x1;
	p0 =	seq.s32 s7, s2  }
0x1e: {  	s7 =	smul.u32 @!p0 $0xF7A, s2;
	p2 =	seq.s32 @!p0 s5, $0x0  }
0x1f: {  	s9 =	smul.u32 $0xF7A, s1;
	s8 =	simm.s32 @!p0 $0x1BF5;
	p2 =	por !p2, p0  }
0x20: {  	[sflag:s8] =	ssyncset.s32 @!p0 $0xFFFFF086;
	s6 =	sadd.s32 @!p0 s3, s7;
	s7 =	simm.s32 @!p0 $0x108  }
0x21: {  	s3 =	sadd.s32 s3, s9;
	s6 =	sadd.s32 @!p0 $0x88, s6;
	s7 =	simm.s32 @p2 $0x1082  }
0x22: {  	[simem:s7], [sflag:s8] =	dma.local @!p0 [hbm:s6], $0xF7A  }
0x23: {  	s9 =	sor.u32 $0xD0000000, s2;
	s6 =	simm.s32 $0x108;
	_ =	swait.ge @!p0 [sflag:s8], $0x0  }
0x24: {  	s3 =	sadd.s32 $0x88, s3;
	s6 =	simm.s32 @!p1 $0x1082;
	[sflag:s4] =	ssyncset.s32 $0xFFFFF086  }
0x25: {  	[simem:s6], [sflag:s4] =	dma.local [hbm:s3], $0xF7A  }
0x26: {  	[smem:$0x3F9B] =	sst s1;
	(tag) =	ssettag s2;
	_ =	strace s9  }
0x27: {  	s1 =	sld [smem:$0x3FAB]  }
0x28: {  	s2 =	sld [smem:$0x3FAC]  }
0x29: {  	s4 =	sld [smem:$0x3FAE]  }
0x2a: {  	p0 =	seq.s32 s5, $0x0;
	s5 =	sld [smem:$0x3FAF]  }
0x2b: {  	s6 =	sld [smem:$0x3FB0]  }
0x2c: {  	s7 =	sld [smem:$0x3FB1]  }
0x2d: {  	s3 =	simm.s32 $0x108;
	s8 =	sld [smem:$0x3FB2]  }
0x2e: {  	s3 =	simm.s32 @!p0 $0x1082;
	s9 =	sld [smem:$0x3FB3]  }
0x2f: {  	lr =	sadd.s32 s0, s3;
	s0 =	sld [smem:$0x3FAA]  }
0x30: {  	s3 =	sld [smem:$0x3FAD]  }
0x31: {  	[smem:$0x3FB6] =	sst s10  }
0x32: {  	s10 =	sld [smem:$0x3FB4];
	_ =	sdelay $0x3  }
0x33: {  	p0 =	seq.s32 s10, $0x1;
	s10 =	sld [smem:$0x3FB6];
	_ =	sdelay $0x3  }
0x34: {  	[smem:$0x3FB6] =	sst s10  }
0x35: {  	s10 =	sld [smem:$0x3FB5];
	_ =	sdelay $0x3  }
0x36: {  	p1 =	seq.s32 s10, $0x1;
	s10 =	sld [smem:$0x3FB6];
	_ =	sdelay $0x3  }
0x37: {  	[smem:$0x3FB6] =	sst s10  }
0x38: {  	s10 =	sld [smem:$0x3FB7]  }
0x39: {  	_ = 	snop;
	(pc) =	sbr.ind lr, $3  }
0x3a: {  	_ = 	snop  }
0x3b: {  	_ = 	snop  }
0x3c: {  	p2 =	seq.s32 s10, $0x1;
	s10 =	sld [smem:$0x3FB6]  }
0x3d: {  	_ =	shalt  }
0x3e: {  	_ =	shalt  }
0x3f: {  	_ =	shalt  }
0x40: {  	_ =	shalt  }
0x41: {  	_ =	shalt  }
0x42: {  	_ =	shalt  }
0x43: {  	_ =	shalt  }
0x44: {  	_ =	shalt  }
0x45: {  	_ =	shalt  }
0x46: {  	_ =	shalt  }
0x47: {  	_ =	shalt  }
0x48: {  	_ =	shalt  }
0x49: {  	_ =	shalt  }
0x4a: {  	_ =	shalt  }
0x4b: {  	_ =	shalt  }
0x4c: {  	_ =	shalt  }
0x4d: {  	_ =	shalt  }
0x4e: {  	_ =	shalt  }
0x4f: {  	_ =	shalt  }
0x50: {  	_ =	shalt  }
0x51: {  	_ =	shalt  }
0x52: {  	_ =	shalt  }
0x53: {  	_ =	shalt  }
0x54: {  	_ =	shalt  }
0x55: {  	_ =	shalt  }
0x56: {  	_ =	shalt  }
0x57: {  	_ =	shalt  }
0x58: {  	_ =	shalt  }
0x59: {  	_ =	shalt  }
0x5a: {  	_ =	shalt  }
0x5b: {  	_ =	shalt  }
0x5c: {  	_ =	shalt  }
0x5d: {  	_ =	shalt  }
0x5e: {  	_ =	shalt  }
0x5f: {  	_ =	shalt  }
0x60: {  	_ =	shalt  }
0x61: {  	_ =	shalt  }
0x62: {  	_ =	shalt  }
0x63: {  	_ =	shalt  }
0x64: {  	_ =	shalt  }
0x65: {  	_ =	shalt  }
0x66: {  	_ =	shalt  }
0x67: {  	_ =	shalt  }
0x68: {  	_ =	shalt  }
0x69: {  	_ =	shalt  }
0x6a: {  	_ =	shalt  }
0x6b: {  	_ =	shalt  }
0x6c: {  	_ =	shalt  }
0x6d: {  	_ =	shalt  }
0x6e: {  	_ =	shalt  }
0x6f: {  	_ =	shalt  }
0x70: {  	_ =	shalt  }
0x71: {  	_ =	shalt  }
0x72: {  	_ =	shalt  }
0x73: {  	_ =	shalt  }
0x74: {  	_ =	shalt  }
0x75: {  	_ =	shalt  }
0x76: {  	_ =	shalt  }
0x77: {  	_ =	shalt  }
0x78: {  	_ =	shalt  }
0x79: {  	_ =	shalt  }
0x7a: {  	_ =	shalt  }
0x7b: {  	_ =	shalt  }
0x7c: {  	_ =	shalt  }
0x7d: {  	_ =	shalt  }
0x7e: {  	_ =	shalt  }
0x7f: {  	_ =	shalt  }
0x80: {  	_ =	shalt  }
0x81: {  	_ =	shalt  }
0x82: {  	_ =	shalt  }
0x83: {  	_ =	shalt  }
0x84: {  	_ =	shalt  }
0x85: {  	_ =	shalt  }
0x86: {  	_ =	shalt  }
0x87: {  	_ =	shalt  }
.Lfunc_end0:
.L_simem_size_0:
called_computation.1_lowered:
.L_overlay_start_0:
0x88: {  	s2 =	sld [smem:$0x3FD9]  }
0x89: {  	s3 =	sld [smem:$0x3FFE];
	_ =	sdelay $0x1  }
0x8a: {  	s1 =	srdreg.scid  }
0x8b: {  	s0 =	sand.u32 $0x1, s1  }
0x8c: {  	s17 =	sshll.u32 s0, $0xA;
	s2 =	sadd.s32 s3, s2  }
0x8d: {  	s2 =	sadd.s32 s2, s17  }
0x8e: {  	[smem:$0x3FC2] =	sst s2  }
0x8f: {  	_ = 	snop  }
0x90: {  	s2 =	sld [smem:$0x3FD0];
	(tm) =	ssettm $0x1  }
0x91: {  	s18 =	sld [smem:$0x3FFB];
	_ =	sdelay $0x3  }
0x92: {  	_ =	strace s18  }
0x93: {  	s3 =	sld [smem:$0x3FFC];
	_ =	sdelay $0x3  }
0x94: {  	_ =	strace s3  }
0x95: {  	s3 =	sld [smem:$0x3FFD];
	_ =	sdelay $0x3  }
0x96: {  	_ =	strace s3  }
0x97: {  	_ =	strace $0x8FFFFFFF  }
0x98: {  	s19 =	sld [smem:$0x3FDB];
	_ =	sdelay $0x1  }
0x99: {  	s4 =	simm.s32 $_scs_section_size  }
0x9a: {  	s5 =	simm.s32 $_size__tile_overlayer_lowered;
	s6 =	simm.s32 $_tile_overlayer_lowered  }
0x9b: {  	s22 =	simm.s32 $0x1BFF;
	s21 =	sshll.u32 s6, $0x1;
	s3 =	sadd.s32 s4, s19  }
0x9c: {  	s7 =	simm.s32 $0x0;
	s20 =	sshll.u32 s5, $0x1;
	s5 =	sadd.s32 s21, s3  }
0x9d: {  	[timem:s7], [sflag:s22] =	dma.local [hbm:s5], s20  }
0x9e: {  	_ =	swait.ge [sflag:s22], s20  }
0x9f: {  	s4 =	ssub.s32 $0x0, s20;
	[sflag:s22] =	ssyncset.done $0x0  }
0xa0: {  	[sflag:s22] =	ssyncadd.s32 s4;
	_ =	sdelay $0x1  }
0xa1: {  	s23 =	simm.s32 $0x1B8B  }
0xa2: {  	_ =	swait.ge [sflag:s23], $0x1  }
0xa3: {  	[sflag:s23] =	ssyncset.done $0x0  }
0xa4: {  	s25 =	simm.s32 $0x1B8E;
	s24 =	sld [smem:$0x3FFE];
	[sflag:s23] =	ssyncadd.s32 $0xFFFFFFFF  }
0xa5: {  	s26 =	simm.s32 $execute0_lowered;
	[smem:$0x3FD2] =	sst s25  }
0xa6: {  	s5 =	sshll.u32 s26, $0x1;
	_ =	strace $0x80000049;
	[dreg:$0x1] =	wrdreg $0xFFFFFFFF  }
0xa7: {  	s28 =	simm.s32 $_size_execute0_lowered;
	s3 =	sadd.s32 s3, s5;
	[dreg:$0x0] =	wrdreg $0x0  }
0xa8: {  	s5 =	sshll.u32 s28, $0x1;
	[dreg:$0x2] =	wrdreg s3  }
0xa9: {  	[dreg:$0x3] =	wrdreg s5  }
0xaa: {  	[dreg:$0x4] =	wrdreg $0xC0  }
0xab: {  	_ =	task [dreg:s7], $0x5FFFF  }
0xac: {  	[dreg:$0x1] =	wrdreg $0xFFFFFFFF  }
0xad: {  	[dreg:$0x0] =	wrdreg $0x60  }
0xae: {  	[dreg:$0x2] =	wrdreg s2  }
0xaf: {  	[dreg:$0x3] =	wrdreg s24  }
0xb0: {  	[dreg:$0x4] =	wrdreg $0xB0000  }
0xb1: {  	[dreg:$0x5] =	wrdreg $0x9  }
0xb2: {  	_ =	task.clear_ibuf [dreg:s7], $0x6FFFF;
	_ =	strace $0x90000049  }
0xb3: {  	s29 =	simm.s32 $0x9;
	_ =	strace $0x8000004B  }
0xb4: {  	_ =	swait.ge [sflag:s29], $0x1  }
0xb5: {  	[sflag:s29] =	ssyncadd.s32 $0xFFFFFFFF  }
0xb6: {  	_ =	strace $0x9000004B  }
0xb7: {  	_ =	sfence  }
0xb8: {  	s30 =	sld [smem:$0x0];
	_ =	sdelay $0x2  }
0xb9: {  	s31 =	sshll.u32 s1, $0xD;
	s1 =	sshrl.u32 s1, $0x2  }
0xba: {  	s3 =	sand.u32 $0x4000, s31;
	s1 =	sadd.s32 s1, s30  }
0xbb: {  	s0 =	sor.u32 s3, s0;
	s1 =	sshll.u32 s1, $0x11  }
0xbc: {  	s0 =	sor.u32 s1, s0  }
0xbd: {  	s0 =	sadd.s32 $0x8F2B, s0  }
0xbe: {  	[sflag:s0] =	ssyncadd.remote.s32 $0x1  }
0xbf: {  	_ =	sfence.sel $0xFFFF  }
0xc0: {  	[dreg:$0x0] =	wrdreg $0xFFFFFFFF;
	(pc) =	sbr.abs _section_cstart, $3  }
0xc1: {  	[dreg:$0x1] =	wrdreg $0xFFFFFFFF  }
0xc2: {  	_ =	task.clear_ibuf [dreg:s7], $0x2FFFF;
	_ =	strace $0x9FFFFFFF  }
0xc3: {  	(tm) =	ssettm $0x7FFFFFFF  }
tec
execute0_lowered:
.L_overlay_start_1:
0x0: {  	(tag) =	ssettag $0x1  }
0x1: {  	s2 =	rddreg [dreg:$0x0]  }
0x2: {  	s0 =	rddreg [dreg:$0x1]  }
0x3: {  	s3 =	rddreg [dreg:$0x2]  }
0x4: {  	s10 =	stileid.u32;
	s5 =	srdreg.scid  }
0x5: {  	s4 =	simm.s32 $0x0;
	s12 =	simm.s32 $0x5;
	s14 =	simm.s32 $0x80  }
0x6: {  	s15 =	simm.s32 $0x3000;
	s16 =	simm.s32 $0x1;
	s17 =	simm.s32 $0x7000  }
0x7: {  	s18 =	simm.s32 $0x2;
	s19 =	simm.s32 $0x3;
	s20 =	simm.s32 $0x100  }
0x8: {  	s28 =	simm.s32 $0x400;
	s29 =	simm.s32 $0x480;
	s1 =	smul.u32 $0x500, s10  }
0x9: {  	s30 =	simm.s32 $0x500;
	s31 =	simm.s32 $0x580;
	s6 =	smul.u32 $0x14000, s10  }
0xa: {  	s13 =	simm.s32 $0x700;
	s5 =	sand.u32 $0x1, s5;
	s9 =	smul.u32 $0x50000, s10  }
0xb: {  	[smem:$0x7FF] =	sst s4;
	s24 =	sshll.u32 s10, $0x6;
	s7 =	smul.u32 $0x140000, s5  }
0xc: {  	_ =	strace $0x8000004A;
	s21 =	ssub.s32 $0x2, s5;
	s5 =	smul.u32 $0x2710, s5  }
0xd: {  	s1 =	sadd.s32 s1, s0;
	s8 =	sshrl.u32 s6, $0x3;
	s22 =	sshrl.u32 s21, $0x1  }
0xe: {  	s23 =	sshrl.u32 s9, $0x2;
	s6 =	sadd.s32 s6, s7;
	s8 =	sadd.s32 s8, s0  }
0xf: {  	s7 =	sadd.s32 s23, s3;
	s25 =	sadd.s32 $0x1600, s1;
	s10 =	sadd.s32 $0x6600, s1  }
0x10: {  	s23 =	simm.s32 $0x200;
	s1 =	simm.s32 $0x680;
	v0 =	vmov s5;
	s5 =	simm.s32 $0x780  }
0x11: {  	s6 =	sshrl.u32 s6, $0x3;
	s8 =	sadd.s32 $0xB600, s8;
	[dreg:$0x6] =	wrdreg s25  }
0x12: {  	s9 =	sshrl.u32 s7, $0x3;
	s25 =	simm.s32 $0x300;
	s7 =	simm.s32 $0x0  }
0x13: {  	s0 =	sadd.s32 s6, s0;
	s6 =	ssub.s32 s21, s22;
	[dreg:$0x4] =	wrdreg s8  }
0x14: {  	s8 =	sor.u32 $0x1C05, s24;
	s21 =	simm.s32 $0x4;
	[dreg:$0x9] =	wrdreg s9  }
0x15: {  	s22 =	simm.s32 $0x180;
	s0 =	sadd.s32 $0x33600, s0;
	[dreg:$0x5] =	wrdreg s8  }
0x16: {  	s24 =	simm.s32 $0x280;
	s26 =	smax.u32 s6, $0x1;
	[dreg:$0x7] =	wrdreg s0  }
0x17: {  	[dreg:$0x8] =	wrdreg s26;
	s26 =	simm.s32 $0x380;
	s0 =	simm.s32 $0x600  }
.LBB2_1:
0x18: {  	s6 =	rddreg [dreg:$0x4]  }
0x19: {  	[spmem:s9], [sflag:s8] =	dma.local [hbm:s6], $0x2800  }
0x1a: {  	_ =	swait.ge [sflag:s12], $0x2800  }
0x1b: {  	[sflag:s12] =	ssyncset.done $0x0  }
0x1c: {  	s11 =	simm.s32 $0x800;
	s9 =	rddreg [dreg:$0x6];
	[sflag:s12] =	ssyncadd.s32 $0xFFFFD800  }
0x1d: {  	[tilespmem:s11], [sflag:$0x5] =	stream.linear.gather [hbm4b:s9+s4], $0x2800, $0x38;
	[tilespmem:$0x1F000] =	vst v63  }
0x1e: {  	_ =	swait.ge [sflag:s12], $0x2800  }
0x1f: {  	[sflag:s12] =	ssyncset.done $0x0  }
0x20: {  	[sflag:s12] =	ssyncadd.s32 $0xFFFFD800  }
0x21: {  	s8 =	simm.s32 $0x0;
	[bflag:$0x0] =	sbarrier.arrive $0xFFFF  }
.LBB2_2:
0x22: {  	s6 =	sshll.u32 s8, $0x8  }
0x23: {  	s9 =	simm.s32 $0x0;
	s6 =	sadd.s32 s10, s6  }
0x24: {  	[tilespmem:s9], [sflag:$0x5] =	stream.linear.gather [hbm4b:s6+s9], $0x800, $0x38;
	[tilespmem:$0x1F000] =	vst v63  }
0x25: {  	_ =	swait.ge [sflag:s12], $0x800  }
0x26: {  	[sflag:s12] =	ssyncset.done $0x0  }
0x27: {  	s9 =	simm.s32 $0x0;
	[sflag:s12] =	ssyncadd.s32 $0xFFFFF800  }
0x28: {  	v3 =	vld [tilespmem:s9+$0x0]  }
0x29: {  	v5 =	vld [tilespmem:s9+$0x10]  }
0x2a: {  	v4 =	vld [tilespmem:s9+$0x20]  }
0x2b: {  	v2 =	vld [tilespmem:s9+$0x30]  }
0x2c: {  	v1 =	vld [tilespmem:s9+$0x40]  }
0x2d: {  	v6 =	vadd.s32 v0, v3;
	v3 =	vld [tilespmem:s9+$0x50]  }
0x2e: {  	s6 =	simm.s32 $0x200;
	[tilespmem:s9+$0x0] =	vst v6;
	v6 =	vadd.s32 v0, v5;
	v5 =	vld [tilespmem:s9+$0x60]  }
.LBB2_3:
0x2f: {  	s11 =	sshra.s32 s6, $0x2;
	p0 =	sne.s32 s6, $0x1E00;
	[tilespmem:s9+$0x10] =	vst v6;
	v4 =	vadd.s32 v0, v4;
	v6 =	vld [tilespmem:s9+$0x70]  }
0x30: {  	v7 =	vld [tilespmem:s11+$0x0];
	[tilespmem:s9+$0x20] =	vst v4;
	v2 =	vadd.s32 v0, v2  }
0x31: {  	v8 =	vld [tilespmem:s11+$0x10];
	[tilespmem:s9+$0x30] =	vst v2;
	v1 =	vadd.s32 v0, v1  }
.Ltmp0:
0x32: {  	v4 =	vld [tilespmem:s11+$0x20];
	[tilespmem:s9+$0x40] =	vst v1;
	v1 =	vadd.s32 v0, v3;
	(pc) =	sbr.rel @p0 .LBB2_3-.Ltmp0, $4  }
0x33: {  	v2 =	vld [tilespmem:s11+$0x30];
	[tilespmem:s9+$0x50] =	vst v1;
	v3 =	vadd.s32 v0, v5  }
0x34: {  	v1 =	vld [tilespmem:s11+$0x40];
	[tilespmem:s9+$0x60] =	vst v3;
	v5 =	vadd.s32 v0, v6  }
0x35: {  	v6 =	vadd.s32 v0, v7;
	v3 =	vld [tilespmem:s11+$0x50];
	[tilespmem:s9+$0x70] =	vst v5;
	s9 =	smov.u32 s11  }
0x36: {  	s6 =	sadd.s32 $0x200, s6;
	[tilespmem:s9+$0x0] =	vst v6;
	v6 =	vadd.s32 v0, v8;
	v5 =	vld [tilespmem:s9+$0x60]  }
0x37: {  	[tilespmem:s9+$0x10] =	vst v6;
	v4 =	vadd.s32 v0, v4;
	v63 =	vld [tilespmem:s9+$0x70]  }
0x38: {  	[tilespmem:s9+$0x20] =	vst v4;
	v2 =	vadd.s32 v0, v2  }
0x39: {  	[tilespmem:s9+$0x30] =	vst v2;
	v1 =	vadd.s32 v0, v1  }
0x3a: {  	[tilespmem:s9+$0x40] =	vst v1;
	v1 =	vadd.s32 v0, v3  }
0x3b: {  	[tilespmem:s9+$0x50] =	vst v1;
	v1 =	vadd.s32 v0, v5  }
0x3c: {  	[tilespmem:s9+$0x60] =	vst v1;
	v1 =	vadd.s32 v0, v63  }
0x3d: {  	[tilespmem:s9+$0x70] =	vst v1  }
0x3e: {  	[tilespmem:s15], [sflag:$0x1] =	stream.indirect.gather [hbm4b:s2+s14], $0x80, s4, s14, $0xb8;
	[tilespmem:$0x1F000] =	vst v63  }
0x3f: {  	s6 =	sshll.u32 s8, $0xD;
	_ =	swait.ge [sflag:s16], $0x4000  }
0x40: {  	s9 =	sshra.s32 s6, $0x2;
	[sflag:s16] =	ssyncset.done $0x0  }
0x41: {  	s6 =	sadd.s32 $0x800, s9;
	[sflag:s16] =	ssyncadd.s32 $0xFFFFC000  }
0x42: {  	[spmem:s3] =	stream.indirect.scatter.add.f32 [tilespmem:s15], [sflag:$0x3], $0x80, s6, s14, $0xb8;
	[tilespmem:$0x1F000] =	vst v63  }
0x43: {  	_ = 	snop  }
0x44: {  	[tilespmem:s17], [sflag:$0x2] =	stream.indirect.gather [hbm4b:s2+s14], $0x80, s14, s14, $0xb8;
	[tilespmem:$0x1F000] =	vst v63  }
0x45: {  	_ =	swait.ge [sflag:s18], $0x4000  }
0x46: {  	[sflag:s18] =	ssyncset.done $0x0  }
0x47: {  	s11 =	sadd.s32 $0x880, s9;
	[sflag:s18] =	ssyncadd.s32 $0xFFFFC000  }
0x48: {  	[spmem:s3] =	stream.indirect.scatter.add.f32 [tilespmem:s17], [sflag:$0x4], $0x80, s11, s14, $0xb8;
	[tilespmem:$0x1F000] =	vst v63  }
0x49: {  	_ =	swait.ge [sflag:s19], $0x4000  }
0x4a: {  	[sflag:s19] =	ssyncset.done $0x0  }
0x4b: {  	[sflag:s19] =	ssyncadd.s32 $0xFFFFC000  }
0x4c: {  	[tilespmem:s15], [sflag:$0x1] =	stream.indirect.gather [hbm4b:s2+s14], $0x80, s20, s14, $0xb8;
	[tilespmem:$0x1F000] =	vst v63  }
0x4d: {  	_ =	swait.ge [sflag:s16], $0x4000  }
0x4e: {  	[sflag:s16] =	ssyncset.done $0x0  }
0x4f: {  	s11 =	sadd.s32 $0x900, s9;
	[sflag:s16] =	ssyncadd.s32 $0xFFFFC000  }
0x50: {  	[spmem:s3] =	stream.indirect.scatter.add.f32 [tilespmem:s15], [sflag:$0x3], $0x80, s11, s14, $0xb8;
	[tilespmem:$0x1F000] =	vst v63  }
0x51: {  	_ =	swait.ge [sflag:s21], $0x4000  }
0x52: {  	[sflag:s21] =	ssyncset.done $0x0  }
0x53: {  	[sflag:s21] =	ssyncadd.s32 $0xFFFFC000  }
0x54: {  	[tilespmem:s17], [sflag:$0x2] =	stream.indirect.gather [hbm4b:s2+s14], $0x80, s22, s14, $0xb8;
	[tilespmem:$0x1F000] =	vst v63  }
0x55: {  	_ =	swait.ge [sflag:s18], $0x4000  }
0x56: {  	[sflag:s18] =	ssyncset.done $0x0  }
0x57: {  	s11 =	sadd.s32 $0x980, s9;
	[sflag:s18] =	ssyncadd.s32 $0xFFFFC000  }
0x58: {  	[spmem:s3] =	stream.indirect.scatter.add.f32 [tilespmem:s17], [sflag:$0x4], $0x80, s11, s14, $0xb8;
	[tilespmem:$0x1F000] =	vst v63  }
0x59: {  	_ =	swait.ge [sflag:s19], $0x4000  }
0x5a: {  	[sflag:s19] =	ssyncset.done $0x0  }
0x5b: {  	[sflag:s19] =	ssyncadd.s32 $0xFFFFC000  }
0x5c: {  	[tilespmem:s15], [sflag:$0x1] =	stream.indirect.gather [hbm4b:s2+s14], $0x80, s23, s14, $0xb8;
	[tilespmem:$0x1F000] =	vst v63  }
0x5d: {  	_ =	swait.ge [sflag:s16], $0x4000  }
0x5e: {  	[sflag:s16] =	ssyncset.done $0x0  }
0x5f: {  	s11 =	sadd.s32 $0xA00, s9;
	[sflag:s16] =	ssyncadd.s32 $0xFFFFC000  }
0x60: {  	[spmem:s3] =	stream.indirect.scatter.add.f32 [tilespmem:s15], [sflag:$0x3], $0x80, s11, s14, $0xb8;
	[tilespmem:$0x1F000] =	vst v63  }
0x61: {  	_ =	swait.ge [sflag:s21], $0x4000  }
0x62: {  	[sflag:s21] =	ssyncset.done $0x0  }
0x63: {  	[sflag:s21] =	ssyncadd.s32 $0xFFFFC000  }
0x64: {  	[tilespmem:s17], [sflag:$0x2] =	stream.indirect.gather [hbm4b:s2+s14], $0x80, s24, s14, $0xb8;
	[tilespmem:$0x1F000] =	vst v63  }
0x65: {  	_ =	swait.ge [sflag:s18], $0x4000  }
0x66: {  	[sflag:s18] =	ssyncset.done $0x0  }
0x67: {  	s11 =	sadd.s32 $0xA80, s9;
	[sflag:s18] =	ssyncadd.s32 $0xFFFFC000  }
0x68: {  	[spmem:s3] =	stream.indirect.scatter.add.f32 [tilespmem:s17], [sflag:$0x4], $0x80, s11, s14, $0xb8;
	[tilespmem:$0x1F000] =	vst v63  }
0x69: {  	_ =	swait.ge [sflag:s19], $0x4000  }
0x6a: {  	[sflag:s19] =	ssyncset.done $0x0  }
0x6b: {  	[sflag:s19] =	ssyncadd.s32 $0xFFFFC000  }
0x6c: {  	[tilespmem:s15], [sflag:$0x1] =	stream.indirect.gather [hbm4b:s2+s14], $0x80, s25, s14, $0xb8;
	[tilespmem:$0x1F000] =	vst v63  }
0x6d: {  	_ =	swait.ge [sflag:s16], $0x4000  }
0x6e: {  	[sflag:s16] =	ssyncset.done $0x0  }
0x6f: {  	s11 =	sadd.s32 $0xB00, s9;
	[sflag:s16] =	ssyncadd.s32 $0xFFFFC000  }
0x70: {  	[spmem:s3] =	stream.indirect.scatter.add.f32 [tilespmem:s15], [sflag:$0x3], $0x80, s11, s14, $0xb8;
	[tilespmem:$0x1F000] =	vst v63  }
0x71: {  	_ =	swait.ge [sflag:s21], $0x4000  }
0x72: {  	[sflag:s21] =	ssyncset.done $0x0  }
0x73: {  	[sflag:s21] =	ssyncadd.s32 $0xFFFFC000  }
0x74: {  	[tilespmem:s17], [sflag:$0x2] =	stream.indirect.gather [hbm4b:s2+s14], $0x80, s26, s14, $0xb8;
	[tilespmem:$0x1F000] =	vst v63  }
0x75: {  	_ =	swait.ge [sflag:s18], $0x4000  }
0x76: {  	[sflag:s18] =	ssyncset.done $0x0  }
0x77: {  	s11 =	sadd.s32 $0xB80, s9;
	[sflag:s18] =	ssyncadd.s32 $0xFFFFC000  }
0x78: {  	[spmem:s3] =	stream.indirect.scatter.add.f32 [tilespmem:s17], [sflag:$0x4], $0x80, s11, s14, $0xb8;
	[tilespmem:$0x1F000] =	vst v63  }
0x79: {  	_ =	swait.ge [sflag:s19], $0x4000  }
0x7a: {  	[sflag:s19] =	ssyncset.done $0x0  }
0x7b: {  	[sflag:s19] =	ssyncadd.s32 $0xFFFFC000  }
0x7c: {  	[tilespmem:s15], [sflag:$0x1] =	stream.indirect.gather [hbm4b:s2+s14], $0x80, s28, s14, $0xb8;
	[tilespmem:$0x1F000] =	vst v63  }
0x7d: {  	_ =	swait.ge [sflag:s16], $0x4000  }
0x7e: {  	[sflag:s16] =	ssyncset.done $0x0  }
0x7f: {  	s11 =	sadd.s32 $0xC00, s9;
	[sflag:s16] =	ssyncadd.s32 $0xFFFFC000  }
0x80: {  	[spmem:s3] =	stream.indirect.scatter.add.f32 [tilespmem:s15], [sflag:$0x3], $0x80, s11, s14, $0xb8;
	[tilespmem:$0x1F000] =	vst v63  }
0x81: {  	_ =	swait.ge [sflag:s21], $0x4000  }
0x82: {  	[sflag:s21] =	ssyncset.done $0x0  }
0x83: {  	[sflag:s21] =	ssyncadd.s32 $0xFFFFC000  }
0x84: {  	[tilespmem:s17], [sflag:$0x2] =	stream.indirect.gather [hbm4b:s2+s14], $0x80, s29, s14, $0xb8;
	[tilespmem:$0x1F000] =	vst v63  }
0x85: {  	_ =	swait.ge [sflag:s18], $0x4000  }
0x86: {  	[sflag:s18] =	ssyncset.done $0x0  }
0x87: {  	s11 =	sadd.s32 $0xC80, s9;
	[sflag:s18] =	ssyncadd.s32 $0xFFFFC000  }
0x88: {  	[spmem:s3] =	stream.indirect.scatter.add.f32 [tilespmem:s17], [sflag:$0x4], $0x80, s11, s14, $0xb8;
	[tilespmem:$0x1F000] =	vst v63  }
0x89: {  	_ =	swait.ge [sflag:s19], $0x4000  }
0x8a: {  	[sflag:s19] =	ssyncset.done $0x0  }
0x8b: {  	[sflag:s19] =	ssyncadd.s32 $0xFFFFC000  }
0x8c: {  	[tilespmem:s15], [sflag:$0x1] =	stream.indirect.gather [hbm4b:s2+s14], $0x80, s30, s14, $0xb8;
	[tilespmem:$0x1F000] =	vst v63  }
0x8d: {  	_ =	swait.ge [sflag:s16], $0x4000  }
0x8e: {  	[sflag:s16] =	ssyncset.done $0x0  }
0x8f: {  	s11 =	sadd.s32 $0xD00, s9;
	[sflag:s16] =	ssyncadd.s32 $0xFFFFC000  }
0x90: {  	[spmem:s3] =	stream.indirect.scatter.add.f32 [tilespmem:s15], [sflag:$0x3], $0x80, s11, s14, $0xb8;
	[tilespmem:$0x1F000] =	vst v63  }
0x91: {  	_ =	swait.ge [sflag:s21], $0x4000  }
0x92: {  	[sflag:s21] =	ssyncset.done $0x0  }
0x93: {  	[sflag:s21] =	ssyncadd.s32 $0xFFFFC000  }
0x94: {  	[tilespmem:s17], [sflag:$0x2] =	stream.indirect.gather [hbm4b:s2+s14], $0x80, s31, s14, $0xb8;
	[tilespmem:$0x1F000] =	vst v63  }
0x95: {  	_ =	swait.ge [sflag:s18], $0x4000  }
0x96: {  	[sflag:s18] =	ssyncset.done $0x0  }
0x97: {  	s11 =	sadd.s32 $0xD80, s9;
	[sflag:s18] =	ssyncadd.s32 $0xFFFFC000  }
0x98: {  	[spmem:s3] =	stream.indirect.scatter.add.f32 [tilespmem:s17], [sflag:$0x4], $0x80, s11, s14, $0xb8;
	[tilespmem:$0x1F000] =	vst v63  }
0x99: {  	_ =	swait.ge [sflag:s19], $0x4000  }
0x9a: {  	[sflag:s19] =	ssyncset.done $0x0  }
0x9b: {  	[sflag:s19] =	ssyncadd.s32 $0xFFFFC000  }
0x9c: {  	[tilespmem:s15], [sflag:$0x1] =	stream.indirect.gather [hbm4b:s2+s14], $0x80, s0, s14, $0xb8;
	[tilespmem:$0x1F000] =	vst v63  }
0x9d: {  	_ =	swait.ge [sflag:s16], $0x4000  }
0x9e: {  	[sflag:s16] =	ssyncset.done $0x0  }
0x9f: {  	s11 =	sadd.s32 $0xE00, s9;
	[sflag:s16] =	ssyncadd.s32 $0xFFFFC000  }
0xa0: {  	[spmem:s3] =	stream.indirect.scatter.add.f32 [tilespmem:s15], [sflag:$0x3], $0x80, s11, s14, $0xb8;
	[tilespmem:$0x1F000] =	vst v63  }
0xa1: {  	_ =	swait.ge [sflag:s21], $0x4000  }
0xa2: {  	[sflag:s21] =	ssyncset.done $0x0  }
0xa3: {  	[sflag:s21] =	ssyncadd.s32 $0xFFFFC000  }
0xa4: {  	[tilespmem:s17], [sflag:$0x2] =	stream.indirect.gather [hbm4b:s2+s14], $0x80, s1, s14, $0xb8;
	[tilespmem:$0x1F000] =	vst v63  }
0xa5: {  	_ =	swait.ge [sflag:s18], $0x4000  }
0xa6: {  	[sflag:s18] =	ssyncset.done $0x0  }
0xa7: {  	s11 =	sadd.s32 $0xE80, s9;
	[sflag:s18] =	ssyncadd.s32 $0xFFFFC000  }
0xa8: {  	[spmem:s3] =	stream.indirect.scatter.add.f32 [tilespmem:s17], [sflag:$0x4], $0x80, s11, s14, $0xb8;
	[tilespmem:$0x1F000] =	vst v63  }
0xa9: {  	_ =	swait.ge [sflag:s19], $0x4000  }
0xaa: {  	[sflag:s19] =	ssyncset.done $0x0  }
0xab: {  	[sflag:s19] =	ssyncadd.s32 $0xFFFFC000  }
0xac: {  	[tilespmem:s15], [sflag:$0x1] =	stream.indirect.gather [hbm4b:s2+s14], $0x80, s13, s14, $0xb8;
	[tilespmem:$0x1F000] =	vst v63  }
0xad: {  	_ =	swait.ge [sflag:s16], $0x4000  }
0xae: {  	[sflag:s16] =	ssyncset.done $0x0  }
0xaf: {  	s11 =	sadd.s32 $0xF00, s9;
	[sflag:s16] =	ssyncadd.s32 $0xFFFFC000  }
0xb0: {  	[spmem:s3] =	stream.indirect.scatter.add.f32 [tilespmem:s15], [sflag:$0x3], $0x80, s11, s14, $0xb8;
	[tilespmem:$0x1F000] =	vst v63  }
0xb1: {  	_ =	swait.ge [sflag:s21], $0x4000  }
0xb2: {  	[sflag:s21] =	ssyncset.done $0x0  }
0xb3: {  	[sflag:s21] =	ssyncadd.s32 $0xFFFFC000  }
0xb4: {  	[tilespmem:s17], [sflag:$0x2] =	stream.indirect.gather [hbm4b:s2+s14], $0x80, s5, s14, $0xb8;
	[tilespmem:$0x1F000] =	vst v63  }
0xb5: {  	_ =	swait.ge [sflag:s18], $0x4000  }
0xb6: {  	[sflag:s18] =	ssyncset.done $0x0  }
0xb7: {  	s8 =	sadd.s32 $0x1, s8;
	s11 =	sadd.s32 $0xF80, s9;
	[sflag:s18] =	ssyncadd.s32 $0xFFFFC000  }
0xb8: {  	[spmem:s3] =	stream.indirect.scatter.add.f32 [tilespmem:s17], [sflag:$0x4], $0x80, s11, s14, $0xb8;
	[tilespmem:$0x1F000] =	vst v63  }
0xb9: {  	p0 =	sne.s32 s8, $0x5;
	_ =	swait.ge [sflag:s19], $0x4000  }
.Ltmp1:
0xba: {  	[sflag:s19] =	ssyncset.done $0x0;
	(pc) =	sbr.rel @p0 .LBB2_2-.Ltmp1, $4  }
0xbb: {  	[sflag:s19] =	ssyncadd.s32 $0xFFFFC000  }
0xbc: {  	_ =	swait.ge [sflag:s21], $0x4000  }
0xbd: {  	[sflag:s21] =	ssyncset.done $0x0  }
0xbe: {  	[sflag:s21] =	ssyncadd.s32 $0xFFFFC000  }
0xbf: {  	[bflag:$0x0] =	sbarrier.arrive $0xFFFF  }
0xc0: {  	s8 =	rddreg [dreg:$0x5]  }
0xc1: {  	s6 =	rddreg [dreg:$0x7]  }
0xc2: {  	s9 =	rddreg [dreg:$0x9]  }
0xc3: {  	[hbm:s6], [sflag:s8] =	dma.local [spmem:s9], $0x2800  }
0xc4: {  	_ =	swait.ge [sflag:s12], $0x2800  }
0xc5: {  	s7 =	sadd.s32 $0x1, s7;
	s11 =	rddreg [dreg:$0x8]  }
0xc6: {  	p0 =	sne.s32 s7, s11  }
.Ltmp2:
0xc7: {  	_ = 	snop;
	(pc) =	sbr.rel @p0 .LBB2_1-.Ltmp2, $3  }
0xc8: {  	_ =	sdelay $0x1  }
0xc9: {  	[sflag:s12] =	ssyncset.done $0x0  }
0xca: {  	[sflag:s12] =	ssyncadd.s32 $0xFFFFD800  }
0xcb: {  	_ =	sfence.sel $0x180000  }
0xcc: {  	[bflag:$0x0] =	sbarrier.arrive $0xFFFF  }
0xcd: {  	_ =	strace $0x9000004A  }
0xce: {  	s0 =	stileid.u32;
	[bflag:$0x2] =	sbarrier.arrive $0xFFFF  }
0xcf: {  	p0 =	sne.s32 s0, $0x0;
	s0 =	rddreg [dreg:$0x3]  }
0xd0: {  	s0 =	sadd.s32 @!p0 $0x100000, s0  }
0xd1: {  	[sflag:s0] =	ssyncadd.tile.s32 @!p0 $0x1;
	_ =	shalt  }
.Lfunc_end2:
_tile_overlayer_lowered:
.L_overlay_start_2:
0xd2: {  	(tag) =	ssettag $0x2  }
0xd3: {  	s0 =	rddreg [dreg:$0x0];
	s2 =	stileid.u32  }
0xd4: {  	s1 =	rddreg [dreg:$0x1];
	p0 =	sne.s32 s2, $0x0  }
0xd5: {  	s3 =	rddreg [dreg:$0x2];
	[bflag:$0x3] =	sbarrier.arrive $0xFFFF;
	s2 =	simm.s32 @!p0 $0x1C05  }
0xd6: {  	[timem:s3], [sflag:s2] =	dma.local @!p0 [hbm:s0], s1  }
0xd7: {  	s0 =	simm.s32 @!p0 $0x5  }
0xd8: {  	_ =	swait.ge @!p0 [sflag:s0], s1  }
0xd9: {  	s1 =	ssub.s32 @!p0 $0x0, s1;
	[sflag:s0] =	ssyncset.done @!p0 $0x0  }
0xda: {  	[sflag:s0] =	ssyncadd.s32 @!p0 s1  }
0xdb: {  	[bflag:$0x3] =	sbarrier.arrive $0xFFFF  }
0xdc: {  	_ =	shalt  }

// kernel: kernel.14.cloned.1.call-start
scs
__scs_entry_jumppad:
0x0: {  	(pc) =	sbr.rel $0x88, $3  }
0x1: {  	(tag) =	ssettag $0x0;
	lr =	simm.s32 $0x1  }
0x2: {  	[smem:$0x3F9B] =	sst lr;
	_ =	strace $0xD0000000  }
0x3: {  	_ = 	snop  }
0x4: {  	_ = 	snop  }
0x5: {  	_ = 	snop  }
0x6: {  	_ = 	snop  }
0x7: {  	_ = 	snop  }
__scs_overlays_trampoline_lowered:
0x8: {  	[smem:$0x3FAA] =	sst s0  }
0x9: {  	[smem:$0x3FAB] =	sst s1  }
0xa: {  	[smem:$0x3FAC] =	sst s2  }
0xb: {  	[smem:$0x3FAD] =	sst s3  }
0xc: {  	[smem:$0x3FAE] =	sst s4  }
0xd: {  	[smem:$0x3FAF] =	sst s5  }
0xe: {  	[smem:$0x3FB0] =	sst s6  }
0xf: {  	[smem:$0x3FB1] =	sst s7  }
0x10: {  	[smem:$0x3FB2] =	sst s8  }
0x11: {  	[smem:$0x3FB3] =	sst s9;
	s0 =	simm.s32 @!p0 $0x0  }
0x12: {  	s1 =	sld [smem:$0x3F99];
	s0 =	simm.s32 @p0 $0x1  }
0x13: {  	[smem:$0x3FB4] =	sst s0;
	s0 =	simm.s32 @!p1 $0x0  }
0x14: {  	s2 =	sld [smem:$0x3F98];
	s0 =	simm.s32 @p1 $0x1  }
0x15: {  	[smem:$0x3FB5] =	sst s0;
	s0 =	simm.s32 @!p2 $0x0  }
0x16: {  	s3 =	sld [smem:$0x3FDB];
	s0 =	simm.s32 @p2 $0x1  }
0x17: {  	s4 =	simm.s32 $0x1BF5;
	[smem:$0x3FB7] =	sst s0  }
0x18: {  	s0 =	sld [smem:$0x3F9A];
	_ =	swait.ge [sflag:s4], $0x0  }
0x19: {  	s7 =	sld [smem:$0x3F9B]  }
0x1a: {  	s8 =	sadd.s32 $0xFFFFE003, lr  }
0x1b: {  	s9 =	sadd.s32 $0xFFFFFEF7, lr;
	s5 =	simm.s32 $0xFFFFFFFF;
	p2 =	slt.u32 s8, $0xFFFFF086  }
0x1c: {  	p1 =	slt.u32 s9, $0xF7A;
	s5 =	simm.s32 @!p2 $0x0  }
0x1d: {  	s5 =	simm.s32 @p1 $0x1;
	p0 =	seq.s32 s7, s2  }
0x1e: {  	s7 =	smul.u32 @!p0 $0xF7A, s2;
	p2 =	seq.s32 @!p0 s5, $0x0  }
0x1f: {  	s9 =	smul.u32 $0xF7A, s1;
	s8 =	simm.s32 @!p0 $0x1BF5;
	p2 =	por !p2, p0  }
0x20: {  	[sflag:s8] =	ssyncset.s32 @!p0 $0xFFFFF086;
	s6 =	sadd.s32 @!p0 s3, s7;
	s7 =	simm.s32 @!p0 $0x108  }
0x21: {  	s3 =	sadd.s32 s3, s9;
	s6 =	sadd.s32 @!p0 $0x88, s6;
	s7 =	simm.s32 @p2 $0x1082  }
0x22: {  	[simem:s7], [sflag:s8] =	dma.local @!p0 [hbm:s6], $0xF7A  }
0x23: {  	s9 =	sor.u32 $0xD0000000, s2;
	s6 =	simm.s32 $0x108;
	_ =	swait.ge @!p0 [sflag:s8], $0x0  }
0x24: {  	s3 =	sadd.s32 $0x88, s3;
	s6 =	simm.s32 @!p1 $0x1082;
	[sflag:s4] =	ssyncset.s32 $0xFFFFF086  }
0x25: {  	[simem:s6], [sflag:s4] =	dma.local [hbm:s3], $0xF7A  }
0x26: {  	[smem:$0x3F9B] =	sst s1;
	(tag) =	ssettag s2;
	_ =	strace s9  }
0x27: {  	s1 =	sld [smem:$0x3FAB]  }
0x28: {  	s2 =	sld [smem:$0x3FAC]  }
0x29: {  	s4 =	sld [smem:$0x3FAE]  }
0x2a: {  	p0 =	seq.s32 s5, $0x0;
	s5 =	sld [smem:$0x3FAF]  }
0x2b: {  	s6 =	sld [smem:$0x3FB0]  }
0x2c: {  	s7 =	sld [smem:$0x3FB1]  }
0x2d: {  	s3 =	simm.s32 $0x108;
	s8 =	sld [smem:$0x3FB2]  }
0x2e: {  	s3 =	simm.s32 @!p0 $0x1082;
	s9 =	sld [smem:$0x3FB3]  }
0x2f: {  	lr =	sadd.s32 s0, s3;
	s0 =	sld [smem:$0x3FAA]  }
0x30: {  	s3 =	sld [smem:$0x3FAD]  }
0x31: {  	[smem:$0x3FB6] =	sst s10  }
0x32: {  	s10 =	sld [smem:$0x3FB4];
	_ =	sdelay $0x3  }
0x33: {  	p0 =	seq.s32 s10, $0x1;
	s10 =	sld [smem:$0x3FB6];
	_ =	sdelay $0x3  }
0x34: {  	[smem:$0x3FB6] =	sst s10  }
0x35: {  	s10 =	sld [smem:$0x3FB5];
	_ =	sdelay $0x3  }
0x36: {  	p1 =	seq.s32 s10, $0x1;
	s10 =	sld [smem:$0x3FB6];
	_ =	sdelay $0x3  }
0x37: {  	[smem:$0x3FB6] =	sst s10  }
0x38: {  	s10 =	sld [smem:$0x3FB7]  }
0x39: {  	_ = 	snop;
	(pc) =	sbr.ind lr, $3  }
0x3a: {  	_ = 	snop  }
0x3b: {  	_ = 	snop  }
0x3c: {  	p2 =	seq.s32 s10, $0x1;
	s10 =	sld [smem:$0x3FB6]  }
0x3d: {  	_ =	shalt  }
0x3e: {  	_ =	shalt  }
0x3f: {  	_ =	shalt  }
0x40: {  	_ =	shalt  }
0x41: {  	_ =	shalt  }
0x42: {  	_ =	shalt  }
0x43: {  	_ =	shalt  }
0x44: {  	_ =	shalt  }
0x45: {  	_ =	shalt  }
0x46: {  	_ =	shalt  }
0x47: {  	_ =	shalt  }
0x48: {  	_ =	shalt  }
0x49: {  	_ =	shalt  }
0x4a: {  	_ =	shalt  }
0x4b: {  	_ =	shalt  }
0x4c: {  	_ =	shalt  }
0x4d: {  	_ =	shalt  }
0x4e: {  	_ =	shalt  }
0x4f: {  	_ =	shalt  }
0x50: {  	_ =	shalt  }
0x51: {  	_ =	shalt  }
0x52: {  	_ =	shalt  }
0x53: {  	_ =	shalt  }
0x54: {  	_ =	shalt  }
0x55: {  	_ =	shalt  }
0x56: {  	_ =	shalt  }
0x57: {  	_ =	shalt  }
0x58: {  	_ =	shalt  }
0x59: {  	_ =	shalt  }
0x5a: {  	_ =	shalt  }
0x5b: {  	_ =	shalt  }
0x5c: {  	_ =	shalt  }
0x5d: {  	_ =	shalt  }
0x5e: {  	_ =	shalt  }
0x5f: {  	_ =	shalt  }
0x60: {  	_ =	shalt  }
0x61: {  	_ =	shalt  }
0x62: {  	_ =	shalt  }
0x63: {  	_ =	shalt  }
0x64: {  	_ =	shalt  }
0x65: {  	_ =	shalt  }
0x66: {  	_ =	shalt  }
0x67: {  	_ =	shalt  }
0x68: {  	_ =	shalt  }
0x69: {  	_ =	shalt  }
0x6a: {  	_ =	shalt  }
0x6b: {  	_ =	shalt  }
0x6c: {  	_ =	shalt  }
0x6d: {  	_ =	shalt  }
0x6e: {  	_ =	shalt  }
0x6f: {  	_ =	shalt  }
0x70: {  	_ =	shalt  }
0x71: {  	_ =	shalt  }
0x72: {  	_ =	shalt  }
0x73: {  	_ =	shalt  }
0x74: {  	_ =	shalt  }
0x75: {  	_ =	shalt  }
0x76: {  	_ =	shalt  }
0x77: {  	_ =	shalt  }
0x78: {  	_ =	shalt  }
0x79: {  	_ =	shalt  }
0x7a: {  	_ =	shalt  }
0x7b: {  	_ =	shalt  }
0x7c: {  	_ =	shalt  }
0x7d: {  	_ =	shalt  }
0x7e: {  	_ =	shalt  }
0x7f: {  	_ =	shalt  }
0x80: {  	_ =	shalt  }
0x81: {  	_ =	shalt  }
0x82: {  	_ =	shalt  }
0x83: {  	_ =	shalt  }
0x84: {  	_ =	shalt  }
0x85: {  	_ =	shalt  }
0x86: {  	_ =	shalt  }
0x87: {  	_ =	shalt  }
.Lfunc_end0:
.L_simem_size_0:
called_computation.2_lowered:
.L_overlay_start_0:
0x88: {  	s2 =	sld [smem:$0x3FD9]  }
0x89: {  	s3 =	sld [smem:$0x3FFE];
	_ =	sdelay $0x1  }
0x8a: {  	s1 =	srdreg.scid  }
0x8b: {  	s0 =	sand.u32 $0x1, s1  }
0x8c: {  	s17 =	sshll.u32 s0, $0xA;
	s2 =	sadd.s32 s3, s2  }
0x8d: {  	s2 =	sadd.s32 s2, s17  }
0x8e: {  	[smem:$0x3FC2] =	sst s2  }
0x8f: {  	_ = 	snop  }
0x90: {  	s2 =	sld [smem:$0x3FD0];
	(tm) =	ssettm $0x1  }
0x91: {  	s18 =	sld [smem:$0x3FFB];
	_ =	sdelay $0x3  }
0x92: {  	_ =	strace s18  }
0x93: {  	s3 =	sld [smem:$0x3FFC];
	_ =	sdelay $0x3  }
0x94: {  	_ =	strace s3  }
0x95: {  	s3 =	sld [smem:$0x3FFD];
	_ =	sdelay $0x3  }
0x96: {  	_ =	strace s3  }
0x97: {  	_ =	strace $0x8FFFFFFF  }
0x98: {  	s19 =	sld [smem:$0x3FDB];
	_ =	sdelay $0x1  }
0x99: {  	s4 =	simm.s32 $_scs_section_size  }
0x9a: {  	s5 =	simm.s32 $_size__tile_overlayer_lowered;
	s6 =	simm.s32 $_tile_overlayer_lowered  }
0x9b: {  	s22 =	simm.s32 $0x1BFF;
	s21 =	sshll.u32 s6, $0x1;
	s3 =	sadd.s32 s4, s19  }
0x9c: {  	s7 =	simm.s32 $0x0;
	s20 =	sshll.u32 s5, $0x1;
	s5 =	sadd.s32 s21, s3  }
0x9d: {  	[timem:s7], [sflag:s22] =	dma.local [hbm:s5], s20  }
0x9e: {  	_ =	swait.ge [sflag:s22], s20  }
0x9f: {  	s4 =	ssub.s32 $0x0, s20;
	[sflag:s22] =	ssyncset.done $0x0  }
0xa0: {  	[sflag:s22] =	ssyncadd.s32 s4;
	_ =	sdelay $0x1  }
0xa1: {  	s23 =	simm.s32 $0x1B8B  }
0xa2: {  	_ =	swait.ge [sflag:s23], $0x1  }
0xa3: {  	[sflag:s23] =	ssyncset.done $0x0  }
0xa4: {  	s25 =	simm.s32 $0x1B8E;
	s24 =	sld [smem:$0x3FFE];
	[sflag:s23] =	ssyncadd.s32 $0xFFFFFFFF  }
0xa5: {  	s26 =	simm.s32 $execute0_lowered;
	[smem:$0x3FD2] =	sst s25  }
0xa6: {  	s5 =	sshll.u32 s26, $0x1;
	_ =	strace $0x8000004C;
	[dreg:$0x1] =	wrdreg $0xFFFFFFFF  }
0xa7: {  	s28 =	simm.s32 $_size_execute0_lowered;
	s3 =	sadd.s32 s3, s5;
	[dreg:$0x0] =	wrdreg $0x0  }
0xa8: {  	s5 =	sshll.u32 s28, $0x1;
	[dreg:$0x2] =	wrdreg s3  }
0xa9: {  	[dreg:$0x3] =	wrdreg s5  }
0xaa: {  	[dreg:$0x4] =	wrdreg $0xC0  }
0xab: {  	_ =	task [dreg:s7], $0x5FFFF  }
0xac: {  	[dreg:$0x1] =	wrdreg $0xFFFFFFFF  }
0xad: {  	[dreg:$0x0] =	wrdreg $0x60  }
0xae: {  	[dreg:$0x2] =	wrdreg s2  }
0xaf: {  	[dreg:$0x3] =	wrdreg s24  }
0xb0: {  	[dreg:$0x4] =	wrdreg $0xB0000  }
0xb1: {  	[dreg:$0x5] =	wrdreg $0x9  }
0xb2: {  	_ =	task.clear_ibuf [dreg:s7], $0x6FFFF;
	_ =	strace $0x9000004C  }
0xb3: {  	s29 =	simm.s32 $0x9;
	_ =	strace $0x8000004E  }
0xb4: {  	_ =	swait.ge [sflag:s29], $0x1  }
0xb5: {  	[sflag:s29] =	ssyncadd.s32 $0xFFFFFFFF  }
0xb6: {  	_ =	strace $0x9000004E  }
0xb7: {  	_ =	sfence  }
0xb8: {  	s30 =	sld [smem:$0x0];
	_ =	sdelay $0x2  }
0xb9: {  	s31 =	sshll.u32 s1, $0xD;
	s1 =	sshrl.u32 s1, $0x2  }
0xba: {  	s3 =	sand.u32 $0x4000, s31;
	s1 =	sadd.s32 s1, s30  }
0xbb: {  	s0 =	sor.u32 s3, s0;
	s1 =	sshll.u32 s1, $0x11  }
0xbc: {  	s0 =	sor.u32 s1, s0  }
0xbd: {  	s0 =	sadd.s32 $0x8F2B, s0  }
0xbe: {  	[sflag:s0] =	ssyncadd.remote.s32 $0x1  }
0xbf: {  	_ =	sfence.sel $0xFFFF  }
0xc0: {  	[dreg:$0x0] =	wrdreg $0xFFFFFFFF;
	(pc) =	sbr.abs _section_cstart, $3  }
0xc1: {  	[dreg:$0x1] =	wrdreg $0xFFFFFFFF  }
0xc2: {  	_ =	task.clear_ibuf [dreg:s7], $0x2FFFF;
	_ =	strace $0x9FFFFFFF  }
0xc3: {  	(tm) =	ssettm $0x7FFFFFFF  }
tec
execute0_lowered:
.L_overlay_start_1:
0x0: {  	(tag) =	ssettag $0x1  }
0x1: {  	s2 =	rddreg [dreg:$0x0]  }
0x2: {  	s0 =	rddreg [dreg:$0x1]  }
0x3: {  	s3 =	rddreg [dreg:$0x2]  }
0x4: {  	s10 =	stileid.u32;
	s5 =	srdreg.scid  }
0x5: {  	s4 =	simm.s32 $0x0;
	s12 =	simm.s32 $0x5;
	s14 =	simm.s32 $0x80  }
0x6: {  	s15 =	simm.s32 $0x3000;
	s16 =	simm.s32 $0x1;
	s17 =	simm.s32 $0x7000  }
0x7: {  	s18 =	simm.s32 $0x2;
	s19 =	simm.s32 $0x3;
	s20 =	simm.s32 $0x100  }
0x8: {  	s28 =	simm.s32 $0x400;
	s29 =	simm.s32 $0x480;
	s1 =	smul.u32 $0x500, s10  }
0x9: {  	s30 =	simm.s32 $0x500;
	s31 =	simm.s32 $0x580;
	s6 =	smul.u32 $0x14000, s10  }
0xa: {  	s13 =	simm.s32 $0x700;
	s5 =	sand.u32 $0x1, s5;
	s9 =	smul.u32 $0x50000, s10  }
0xb: {  	[smem:$0x7FF] =	sst s4;
	s24 =	sshll.u32 s10, $0x6;
	s7 =	smul.u32 $0x140000, s5  }
0xc: {  	_ =	strace $0x8000004D;
	s21 =	ssub.s32 $0x2, s5;
	s5 =	smul.u32 $0x2710, s5  }
0xd: {  	s1 =	sadd.s32 s1, s0;
	s8 =	sshrl.u32 s6, $0x3;
	s22 =	sshrl.u32 s21, $0x1  }
0xe: {  	s23 =	sshrl.u32 s9, $0x2;
	s6 =	sadd.s32 s6, s7;
	s8 =	sadd.s32 s8, s0  }
0xf: {  	s7 =	sadd.s32 s23, s3;
	s25 =	sadd.s32 $0x1600, s1;
	s10 =	sadd.s32 $0x6600, s1  }
0x10: {  	s23 =	simm.s32 $0x200;
	s1 =	simm.s32 $0x680;
	v0 =	vmov s5;
	s5 =	simm.s32 $0x780  }
0x11: {  	s6 =	sshrl.u32 s6, $0x3;
	s8 =	sadd.s32 $0xB600, s8;
	[dreg:$0x6] =	wrdreg s25  }
0x12: {  	s9 =	sshrl.u32 s7, $0x3;
	s25 =	simm.s32 $0x300;
	s7 =	simm.s32 $0x0  }
0x13: {  	s0 =	sadd.s32 s6, s0;
	s6 =	ssub.s32 s21, s22;
	[dreg:$0x4] =	wrdreg s8  }
0x14: {  	s8 =	sor.u32 $0x1C05, s24;
	s21 =	simm.s32 $0x4;
	[dreg:$0x9] =	wrdreg s9  }
0x15: {  	s22 =	simm.s32 $0x180;
	s0 =	sadd.s32 $0x33600, s0;
	[dreg:$0x5] =	wrdreg s8  }
0x16: {  	s24 =	simm.s32 $0x280;
	s26 =	smax.u32 s6, $0x1;
	[dreg:$0x7] =	wrdreg s0  }
0x17: {  	[dreg:$0x8] =	wrdreg s26;
	s26 =	simm.s32 $0x380;
	s0 =	simm.s32 $0x600  }
.LBB2_1:
0x18: {  	s6 =	rddreg [dreg:$0x4]  }
0x19: {  	[spmem:s9], [sflag:s8] =	dma.local [hbm:s6], $0x2800  }
0x1a: {  	_ =	swait.ge [sflag:s12], $0x2800  }
0x1b: {  	[sflag:s12] =	ssyncset.done $0x0  }
0x1c: {  	s11 =	simm.s32 $0x800;
	s9 =	rddreg [dreg:$0x6];
	[sflag:s12] =	ssyncadd.s32 $0xFFFFD800  }
0x1d: {  	[tilespmem:s11], [sflag:$0x5] =	stream.linear.gather [hbm4b:s9+s4], $0x2800, $0x38;
	[tilespmem:$0x1F000] =	vst v63  }
0x1e: {  	_ =	swait.ge [sflag:s12], $0x2800  }
0x1f: {  	[sflag:s12] =	ssyncset.done $0x0  }
0x20: {  	[sflag:s12] =	ssyncadd.s32 $0xFFFFD800  }
0x21: {  	s8 =	simm.s32 $0x0;
	[bflag:$0x0] =	sbarrier.arrive $0xFFFF  }
.LBB2_2:
0x22: {  	s6 =	sshll.u32 s8, $0x8  }
0x23: {  	s9 =	simm.s32 $0x0;
	s6 =	sadd.s32 s10, s6  }
0x24: {  	[tilespmem:s9], [sflag:$0x5] =	stream.linear.gather [hbm4b:s6+s9], $0x800, $0x38;
	[tilespmem:$0x1F000] =	vst v63  }
0x25: {  	_ =	swait.ge [sflag:s12], $0x800  }
0x26: {  	[sflag:s12] =	ssyncset.done $0x0  }
0x27: {  	s9 =	simm.s32 $0x0;
	[sflag:s12] =	ssyncadd.s32 $0xFFFFF800  }
0x28: {  	v3 =	vld [tilespmem:s9+$0x0]  }
0x29: {  	v5 =	vld [tilespmem:s9+$0x10]  }
0x2a: {  	v4 =	vld [tilespmem:s9+$0x20]  }
0x2b: {  	v2 =	vld [tilespmem:s9+$0x30]  }
0x2c: {  	v1 =	vld [tilespmem:s9+$0x40]  }
0x2d: {  	v6 =	vadd.s32 v0, v3;
	v3 =	vld [tilespmem:s9+$0x50]  }
0x2e: {  	s6 =	simm.s32 $0x200;
	[tilespmem:s9+$0x0] =	vst v6;
	v6 =	vadd.s32 v0, v5;
	v5 =	vld [tilespmem:s9+$0x60]  }
.LBB2_3:
0x2f: {  	s11 =	sshra.s32 s6, $0x2;
	p0 =	sne.s32 s6, $0x1E00;
	[tilespmem:s9+$0x10] =	vst v6;
	v4 =	vadd.s32 v0, v4;
	v6 =	vld [tilespmem:s9+$0x70]  }
0x30: {  	v7 =	vld [tilespmem:s11+$0x0];
	[tilespmem:s9+$0x20] =	vst v4;
	v2 =	vadd.s32 v0, v2  }
0x31: {  	v8 =	vld [tilespmem:s11+$0x10];
	[tilespmem:s9+$0x30] =	vst v2;
	v1 =	vadd.s32 v0, v1  }
.Ltmp0:
0x32: {  	v4 =	vld [tilespmem:s11+$0x20];
	[tilespmem:s9+$0x40] =	vst v1;
	v1 =	vadd.s32 v0, v3;
	(pc) =	sbr.rel @p0 .LBB2_3-.Ltmp0, $4  }
0x33: {  	v2 =	vld [tilespmem:s11+$0x30];
	[tilespmem:s9+$0x50] =	vst v1;
	v3 =	vadd.s32 v0, v5  }
0x34: {  	v1 =	vld [tilespmem:s11+$0x40];
	[tilespmem:s9+$0x60] =	vst v3;
	v5 =	vadd.s32 v0, v6  }
0x35: {  	v6 =	vadd.s32 v0, v7;
	v3 =	vld [tilespmem:s11+$0x50];
	[tilespmem:s9+$0x70] =	vst v5;
	s9 =	smov.u32 s11  }
0x36: {  	s6 =	sadd.s32 $0x200, s6;
	[tilespmem:s9+$0x0] =	vst v6;
	v6 =	vadd.s32 v0, v8;
	v5 =	vld [tilespmem:s9+$0x60]  }
0x37: {  	[tilespmem:s9+$0x10] =	vst v6;
	v4 =	vadd.s32 v0, v4;
	v63 =	vld [tilespmem:s9+$0x70]  }
0x38: {  	[tilespmem:s9+$0x20] =	vst v4;
	v2 =	vadd.s32 v0, v2  }
0x39: {  	[tilespmem:s9+$0x30] =	vst v2;
	v1 =	vadd.s32 v0, v1  }
0x3a: {  	[tilespmem:s9+$0x40] =	vst v1;
	v1 =	vadd.s32 v0, v3  }
0x3b: {  	[tilespmem:s9+$0x50] =	vst v1;
	v1 =	vadd.s32 v0, v5  }
0x3c: {  	[tilespmem:s9+$0x60] =	vst v1;
	v1 =	vadd.s32 v0, v63  }
0x3d: {  	[tilespmem:s9+$0x70] =	vst v1  }
0x3e: {  	[tilespmem:s15], [sflag:$0x1] =	stream.indirect.gather [hbm4b:s2+s14], $0x80, s4, s14, $0xb8;
	[tilespmem:$0x1F000] =	vst v63  }
0x3f: {  	s6 =	sshll.u32 s8, $0xD;
	_ =	swait.ge [sflag:s16], $0x4000  }
0x40: {  	s9 =	sshra.s32 s6, $0x2;
	[sflag:s16] =	ssyncset.done $0x0  }
0x41: {  	s6 =	sadd.s32 $0x800, s9;
	[sflag:s16] =	ssyncadd.s32 $0xFFFFC000  }
0x42: {  	[spmem:s3] =	stream.indirect.scatter.add.f32 [tilespmem:s15], [sflag:$0x3], $0x80, s6, s14, $0xb8;
	[tilespmem:$0x1F000] =	vst v63  }
0x43: {  	_ = 	snop  }
0x44: {  	[tilespmem:s17], [sflag:$0x2] =	stream.indirect.gather [hbm4b:s2+s14], $0x80, s14, s14, $0xb8;
	[tilespmem:$0x1F000] =	vst v63  }
0x45: {  	_ =	swait.ge [sflag:s18], $0x4000  }
0x46: {  	[sflag:s18] =	ssyncset.done $0x0  }
0x47: {  	s11 =	sadd.s32 $0x880, s9;
	[sflag:s18] =	ssyncadd.s32 $0xFFFFC000  }
0x48: {  	[spmem:s3] =	stream.indirect.scatter.add.f32 [tilespmem:s17], [sflag:$0x4], $0x80, s11, s14, $0xb8;
	[tilespmem:$0x1F000] =	vst v63  }
0x49: {  	_ =	swait.ge [sflag:s19], $0x4000  }
0x4a: {  	[sflag:s19] =	ssyncset.done $0x0  }
0x4b: {  	[sflag:s19] =	ssyncadd.s32 $0xFFFFC000  }
0x4c: {  	[tilespmem:s15], [sflag:$0x1] =	stream.indirect.gather [hbm4b:s2+s14], $0x80, s20, s14, $0xb8;
	[tilespmem:$0x1F000] =	vst v63  }
0x4d: {  	_ =	swait.ge [sflag:s16], $0x4000  }
0x4e: {  	[sflag:s16] =	ssyncset.done $0x0  }
0x4f: {  	s11 =	sadd.s32 $0x900, s9;
	[sflag:s16] =	ssyncadd.s32 $0xFFFFC000  }
0x50: {  	[spmem:s3] =	stream.indirect.scatter.add.f32 [tilespmem:s15], [sflag:$0x3], $0x80, s11, s14, $0xb8;
	[tilespmem:$0x1F000] =	vst v63  }
0x51: {  	_ =	swait.ge [sflag:s21], $0x4000  }
0x52: {  	[sflag:s21] =	ssyncset.done $0x0  }
0x53: {  	[sflag:s21] =	ssyncadd.s32 $0xFFFFC000  }
0x54: {  	[tilespmem:s17], [sflag:$0x2] =	stream.indirect.gather [hbm4b:s2+s14], $0x80, s22, s14, $0xb8;
	[tilespmem:$0x1F000] =	vst v63  }
0x55: {  	_ =	swait.ge [sflag:s18], $0x4000  }
0x56: {  	[sflag:s18] =	ssyncset.done $0x0  }
0x57: {  	s11 =	sadd.s32 $0x980, s9;
	[sflag:s18] =	ssyncadd.s32 $0xFFFFC000  }
0x58: {  	[spmem:s3] =	stream.indirect.scatter.add.f32 [tilespmem:s17], [sflag:$0x4], $0x80, s11, s14, $0xb8;
	[tilespmem:$0x1F000] =	vst v63  }
0x59: {  	_ =	swait.ge [sflag:s19], $0x4000  }
0x5a: {  	[sflag:s19] =	ssyncset.done $0x0  }
0x5b: {  	[sflag:s19] =	ssyncadd.s32 $0xFFFFC000  }
0x5c: {  	[tilespmem:s15], [sflag:$0x1] =	stream.indirect.gather [hbm4b:s2+s14], $0x80, s23, s14, $0xb8;
	[tilespmem:$0x1F000] =	vst v63  }
0x5d: {  	_ =	swait.ge [sflag:s16], $0x4000  }
0x5e: {  	[sflag:s16] =	ssyncset.done $0x0  }
0x5f: {  	s11 =	sadd.s32 $0xA00, s9;
	[sflag:s16] =	ssyncadd.s32 $0xFFFFC000  }
0x60: {  	[spmem:s3] =	stream.indirect.scatter.add.f32 [tilespmem:s15], [sflag:$0x3], $0x80, s11, s14, $0xb8;
	[tilespmem:$0x1F000] =	vst v63  }
0x61: {  	_ =	swait.ge [sflag:s21], $0x4000  }
0x62: {  	[sflag:s21] =	ssyncset.done $0x0  }
0x63: {  	[sflag:s21] =	ssyncadd.s32 $0xFFFFC000  }
0x64: {  	[tilespmem:s17], [sflag:$0x2] =	stream.indirect.gather [hbm4b:s2+s14], $0x80, s24, s14, $0xb8;
	[tilespmem:$0x1F000] =	vst v63  }
0x65: {  	_ =	swait.ge [sflag:s18], $0x4000  }
0x66: {  	[sflag:s18] =	ssyncset.done $0x0  }
0x67: {  	s11 =	sadd.s32 $0xA80, s9;
	[sflag:s18] =	ssyncadd.s32 $0xFFFFC000  }
0x68: {  	[spmem:s3] =	stream.indirect.scatter.add.f32 [tilespmem:s17], [sflag:$0x4], $0x80, s11, s14, $0xb8;
	[tilespmem:$0x1F000] =	vst v63  }
0x69: {  	_ =	swait.ge [sflag:s19], $0x4000  }
0x6a: {  	[sflag:s19] =	ssyncset.done $0x0  }
0x6b: {  	[sflag:s19] =	ssyncadd.s32 $0xFFFFC000  }
0x6c: {  	[tilespmem:s15], [sflag:$0x1] =	stream.indirect.gather [hbm4b:s2+s14], $0x80, s25, s14, $0xb8;
	[tilespmem:$0x1F000] =	vst v63  }
0x6d: {  	_ =	swait.ge [sflag:s16], $0x4000  }
0x6e: {  	[sflag:s16] =	ssyncset.done $0x0  }
0x6f: {  	s11 =	sadd.s32 $0xB00, s9;
	[sflag:s16] =	ssyncadd.s32 $0xFFFFC000  }
0x70: {  	[spmem:s3] =	stream.indirect.scatter.add.f32 [tilespmem:s15], [sflag:$0x3], $0x80, s11, s14, $0xb8;
	[tilespmem:$0x1F000] =	vst v63  }
0x71: {  	_ =	swait.ge [sflag:s21], $0x4000  }
0x72: {  	[sflag:s21] =	ssyncset.done $0x0  }
0x73: {  	[sflag:s21] =	ssyncadd.s32 $0xFFFFC000  }
0x74: {  	[tilespmem:s17], [sflag:$0x2] =	stream.indirect.gather [hbm4b:s2+s14], $0x80, s26, s14, $0xb8;
	[tilespmem:$0x1F000] =	vst v63  }
0x75: {  	_ =	swait.ge [sflag:s18], $0x4000  }
0x76: {  	[sflag:s18] =	ssyncset.done $0x0  }
0x77: {  	s11 =	sadd.s32 $0xB80, s9;
	[sflag:s18] =	ssyncadd.s32 $0xFFFFC000  }
0x78: {  	[spmem:s3] =	stream.indirect.scatter.add.f32 [tilespmem:s17], [sflag:$0x4], $0x80, s11, s14, $0xb8;
	[tilespmem:$0x1F000] =	vst v63  }
0x79: {  	_ =	swait.ge [sflag:s19], $0x4000  }
0x7a: {  	[sflag:s19] =	ssyncset.done $0x0  }
0x7b: {  	[sflag:s19] =	ssyncadd.s32 $0xFFFFC000  }
0x7c: {  	[tilespmem:s15], [sflag:$0x1] =	stream.indirect.gather [hbm4b:s2+s14], $0x80, s28, s14, $0xb8;
	[tilespmem:$0x1F000] =	vst v63  }
0x7d: {  	_ =	swait.ge [sflag:s16], $0x4000  }
0x7e: {  	[sflag:s16] =	ssyncset.done $0x0  }
0x7f: {  	s11 =	sadd.s32 $0xC00, s9;
	[sflag:s16] =	ssyncadd.s32 $0xFFFFC000  }
0x80: {  	[spmem:s3] =	stream.indirect.scatter.add.f32 [tilespmem:s15], [sflag:$0x3], $0x80, s11, s14, $0xb8;
	[tilespmem:$0x1F000] =	vst v63  }
0x81: {  	_ =	swait.ge [sflag:s21], $0x4000  }
0x82: {  	[sflag:s21] =	ssyncset.done $0x0  }
0x83: {  	[sflag:s21] =	ssyncadd.s32 $0xFFFFC000  }
0x84: {  	[tilespmem:s17], [sflag:$0x2] =	stream.indirect.gather [hbm4b:s2+s14], $0x80, s29, s14, $0xb8;
	[tilespmem:$0x1F000] =	vst v63  }
0x85: {  	_ =	swait.ge [sflag:s18], $0x4000  }
0x86: {  	[sflag:s18] =	ssyncset.done $0x0  }
0x87: {  	s11 =	sadd.s32 $0xC80, s9;
	[sflag:s18] =	ssyncadd.s32 $0xFFFFC000  }
0x88: {  	[spmem:s3] =	stream.indirect.scatter.add.f32 [tilespmem:s17], [sflag:$0x4], $0x80, s11, s14, $0xb8;
	[tilespmem:$0x1F000] =	vst v63  }
0x89: {  	_ =	swait.ge [sflag:s19], $0x4000  }
0x8a: {  	[sflag:s19] =	ssyncset.done $0x0  }
0x8b: {  	[sflag:s19] =	ssyncadd.s32 $0xFFFFC000  }
0x8c: {  	[tilespmem:s15], [sflag:$0x1] =	stream.indirect.gather [hbm4b:s2+s14], $0x80, s30, s14, $0xb8;
	[tilespmem:$0x1F000] =	vst v63  }
0x8d: {  	_ =	swait.ge [sflag:s16], $0x4000  }
0x8e: {  	[sflag:s16] =	ssyncset.done $0x0  }
0x8f: {  	s11 =	sadd.s32 $0xD00, s9;
	[sflag:s16] =	ssyncadd.s32 $0xFFFFC000  }
0x90: {  	[spmem:s3] =	stream.indirect.scatter.add.f32 [tilespmem:s15], [sflag:$0x3], $0x80, s11, s14, $0xb8;
	[tilespmem:$0x1F000] =	vst v63  }
0x91: {  	_ =	swait.ge [sflag:s21], $0x4000  }
0x92: {  	[sflag:s21] =	ssyncset.done $0x0  }
0x93: {  	[sflag:s21] =	ssyncadd.s32 $0xFFFFC000  }
0x94: {  	[tilespmem:s17], [sflag:$0x2] =	stream.indirect.gather [hbm4b:s2+s14], $0x80, s31, s14, $0xb8;
	[tilespmem:$0x1F000] =	vst v63  }
0x95: {  	_ =	swait.ge [sflag:s18], $0x4000  }
0x96: {  	[sflag:s18] =	ssyncset.done $0x0  }
0x97: {  	s11 =	sadd.s32 $0xD80, s9;
	[sflag:s18] =	ssyncadd.s32 $0xFFFFC000  }
0x98: {  	[spmem:s3] =	stream.indirect.scatter.add.f32 [tilespmem:s17], [sflag:$0x4], $0x80, s11, s14, $0xb8;
	[tilespmem:$0x1F000] =	vst v63  }
0x99: {  	_ =	swait.ge [sflag:s19], $0x4000  }
0x9a: {  	[sflag:s19] =	ssyncset.done $0x0  }
0x9b: {  	[sflag:s19] =	ssyncadd.s32 $0xFFFFC000  }
0x9c: {  	[tilespmem:s15], [sflag:$0x1] =	stream.indirect.gather [hbm4b:s2+s14], $0x80, s0, s14, $0xb8;
	[tilespmem:$0x1F000] =	vst v63  }
0x9d: {  	_ =	swait.ge [sflag:s16], $0x4000  }
0x9e: {  	[sflag:s16] =	ssyncset.done $0x0  }
0x9f: {  	s11 =	sadd.s32 $0xE00, s9;
	[sflag:s16] =	ssyncadd.s32 $0xFFFFC000  }
0xa0: {  	[spmem:s3] =	stream.indirect.scatter.add.f32 [tilespmem:s15], [sflag:$0x3], $0x80, s11, s14, $0xb8;
	[tilespmem:$0x1F000] =	vst v63  }
0xa1: {  	_ =	swait.ge [sflag:s21], $0x4000  }
0xa2: {  	[sflag:s21] =	ssyncset.done $0x0  }
0xa3: {  	[sflag:s21] =	ssyncadd.s32 $0xFFFFC000  }
0xa4: {  	[tilespmem:s17], [sflag:$0x2] =	stream.indirect.gather [hbm4b:s2+s14], $0x80, s1, s14, $0xb8;
	[tilespmem:$0x1F000] =	vst v63  }
0xa5: {  	_ =	swait.ge [sflag:s18], $0x4000  }
0xa6: {  	[sflag:s18] =	ssyncset.done $0x0  }
0xa7: {  	s11 =	sadd.s32 $0xE80, s9;
	[sflag:s18] =	ssyncadd.s32 $0xFFFFC000  }
0xa8: {  	[spmem:s3] =	stream.indirect.scatter.add.f32 [tilespmem:s17], [sflag:$0x4], $0x80, s11, s14, $0xb8;
	[tilespmem:$0x1F000] =	vst v63  }
0xa9: {  	_ =	swait.ge [sflag:s19], $0x4000  }
0xaa: {  	[sflag:s19] =	ssyncset.done $0x0  }
0xab: {  	[sflag:s19] =	ssyncadd.s32 $0xFFFFC000  }
0xac: {  	[tilespmem:s15], [sflag:$0x1] =	stream.indirect.gather [hbm4b:s2+s14], $0x80, s13, s14, $0xb8;
	[tilespmem:$0x1F000] =	vst v63  }
0xad: {  	_ =	swait.ge [sflag:s16], $0x4000  }
0xae: {  	[sflag:s16] =	ssyncset.done $0x0  }
0xaf: {  	s11 =	sadd.s32 $0xF00, s9;
	[sflag:s16] =	ssyncadd.s32 $0xFFFFC000  }
0xb0: {  	[spmem:s3] =	stream.indirect.scatter.add.f32 [tilespmem:s15], [sflag:$0x3], $0x80, s11, s14, $0xb8;
	[tilespmem:$0x1F000] =	vst v63  }
0xb1: {  	_ =	swait.ge [sflag:s21], $0x4000  }
0xb2: {  	[sflag:s21] =	ssyncset.done $0x0  }
0xb3: {  	[sflag:s21] =	ssyncadd.s32 $0xFFFFC000  }
0xb4: {  	[tilespmem:s17], [sflag:$0x2] =	stream.indirect.gather [hbm4b:s2+s14], $0x80, s5, s14, $0xb8;
	[tilespmem:$0x1F000] =	vst v63  }
0xb5: {  	_ =	swait.ge [sflag:s18], $0x4000  }
0xb6: {  	[sflag:s18] =	ssyncset.done $0x0  }
0xb7: {  	s8 =	sadd.s32 $0x1, s8;
	s11 =	sadd.s32 $0xF80, s9;
	[sflag:s18] =	ssyncadd.s32 $0xFFFFC000  }
0xb8: {  	[spmem:s3] =	stream.indirect.scatter.add.f32 [tilespmem:s17], [sflag:$0x4], $0x80, s11, s14, $0xb8;
	[tilespmem:$0x1F000] =	vst v63  }
0xb9: {  	p0 =	sne.s32 s8, $0x5;
	_ =	swait.ge [sflag:s19], $0x4000  }
.Ltmp1:
0xba: {  	[sflag:s19] =	ssyncset.done $0x0;
	(pc) =	sbr.rel @p0 .LBB2_2-.Ltmp1, $4  }
0xbb: {  	[sflag:s19] =	ssyncadd.s32 $0xFFFFC000  }
0xbc: {  	_ =	swait.ge [sflag:s21], $0x4000  }
0xbd: {  	[sflag:s21] =	ssyncset.done $0x0  }
0xbe: {  	[sflag:s21] =	ssyncadd.s32 $0xFFFFC000  }
0xbf: {  	[bflag:$0x0] =	sbarrier.arrive $0xFFFF  }
0xc0: {  	s8 =	rddreg [dreg:$0x5]  }
0xc1: {  	s6 =	rddreg [dreg:$0x7]  }
0xc2: {  	s9 =	rddreg [dreg:$0x9]  }
0xc3: {  	[hbm:s6], [sflag:s8] =	dma.local [spmem:s9], $0x2800  }
0xc4: {  	_ =	swait.ge [sflag:s12], $0x2800  }
0xc5: {  	s7 =	sadd.s32 $0x1, s7;
	s11 =	rddreg [dreg:$0x8]  }
0xc6: {  	p0 =	sne.s32 s7, s11  }
.Ltmp2:
0xc7: {  	_ = 	snop;
	(pc) =	sbr.rel @p0 .LBB2_1-.Ltmp2, $3  }
0xc8: {  	_ =	sdelay $0x1  }
0xc9: {  	[sflag:s12] =	ssyncset.done $0x0  }
0xca: {  	[sflag:s12] =	ssyncadd.s32 $0xFFFFD800  }
0xcb: {  	_ =	sfence.sel $0x180000  }
0xcc: {  	[bflag:$0x0] =	sbarrier.arrive $0xFFFF  }
0xcd: {  	_ =	strace $0x9000004D  }
0xce: {  	s0 =	stileid.u32;
	[bflag:$0x2] =	sbarrier.arrive $0xFFFF  }
0xcf: {  	p0 =	sne.s32 s0, $0x0;
	s0 =	rddreg [dreg:$0x3]  }
0xd0: {  	s0 =	sadd.s32 @!p0 $0x100000, s0  }
0xd1: {  	[sflag:s0] =	ssyncadd.tile.s32 @!p0 $0x1;
	_ =	shalt  }
.Lfunc_end2:
_tile_overlayer_lowered:
.L_overlay_start_2:
0xd2: {  	(tag) =	ssettag $0x2  }
0xd3: {  	s0 =	rddreg [dreg:$0x0];
	s2 =	stileid.u32  }
0xd4: {  	s1 =	rddreg [dreg:$0x1];
	p0 =	sne.s32 s2, $0x0  }
0xd5: {  	s3 =	rddreg [dreg:$0x2];
	[bflag:$0x3] =	sbarrier.arrive $0xFFFF;
	s2 =	simm.s32 @!p0 $0x1C05  }
0xd6: {  	[timem:s3], [sflag:s2] =	dma.local @!p0 [hbm:s0], s1  }
0xd7: {  	s0 =	simm.s32 @!p0 $0x5  }
0xd8: {  	_ =	swait.ge @!p0 [sflag:s0], s1  }
0xd9: {  	s1 =	ssub.s32 @!p0 $0x0, s1;
	[sflag:s0] =	ssyncset.done @!p0 $0x0  }
0xda: {  	[sflag:s0] =	ssyncadd.s32 @!p0 s1  }
0xdb: {  	[bflag:$0x3] =	sbarrier.arrive $0xFFFF  }
0xdc: {  	_ =	shalt  }

// kernel: kernel.8.cloned.1.call-start
scs
__scs_entry_jumppad:
0x0: {  	(pc) =	sbr.rel $0x88, $3  }
0x1: {  	(tag) =	ssettag $0x0;
	lr =	simm.s32 $0x1  }
0x2: {  	[smem:$0x3F9B] =	sst lr;
	_ =	strace $0xD0000000  }
0x3: {  	_ = 	snop  }
0x4: {  	_ = 	snop  }
0x5: {  	_ = 	snop  }
0x6: {  	_ = 	snop  }
0x7: {  	_ = 	snop  }
__scs_overlays_trampoline_lowered:
0x8: {  	[smem:$0x3FAA] =	sst s0  }
0x9: {  	[smem:$0x3FAB] =	sst s1  }
0xa: {  	[smem:$0x3FAC] =	sst s2  }
0xb: {  	[smem:$0x3FAD] =	sst s3  }
0xc: {  	[smem:$0x3FAE] =	sst s4  }
0xd: {  	[smem:$0x3FAF] =	sst s5  }
0xe: {  	[smem:$0x3FB0] =	sst s6  }
0xf: {  	[smem:$0x3FB1] =	sst s7  }
0x10: {  	[smem:$0x3FB2] =	sst s8  }
0x11: {  	[smem:$0x3FB3] =	sst s9;
	s0 =	simm.s32 @!p0 $0x0  }
0x12: {  	s1 =	sld [smem:$0x3F99];
	s0 =	simm.s32 @p0 $0x1  }
0x13: {  	[smem:$0x3FB4] =	sst s0;
	s0 =	simm.s32 @!p1 $0x0  }
0x14: {  	s2 =	sld [smem:$0x3F98];
	s0 =	simm.s32 @p1 $0x1  }
0x15: {  	[smem:$0x3FB5] =	sst s0;
	s0 =	simm.s32 @!p2 $0x0  }
0x16: {  	s3 =	sld [smem:$0x3FDB];
	s0 =	simm.s32 @p2 $0x1  }
0x17: {  	s4 =	simm.s32 $0x1BF5;
	[smem:$0x3FB7] =	sst s0  }
0x18: {  	s0 =	sld [smem:$0x3F9A];
	_ =	swait.ge [sflag:s4], $0x0  }
0x19: {  	s7 =	sld [smem:$0x3F9B]  }
0x1a: {  	s8 =	sadd.s32 $0xFFFFE003, lr  }
0x1b: {  	s9 =	sadd.s32 $0xFFFFFEF7, lr;
	s5 =	simm.s32 $0xFFFFFFFF;
	p2 =	slt.u32 s8, $0xFFFFF086  }
0x1c: {  	p1 =	slt.u32 s9, $0xF7A;
	s5 =	simm.s32 @!p2 $0x0  }
0x1d: {  	s5 =	simm.s32 @p1 $0x1;
	p0 =	seq.s32 s7, s2  }
0x1e: {  	s7 =	smul.u32 @!p0 $0xF7A, s2;
	p2 =	seq.s32 @!p0 s5, $0x0  }
0x1f: {  	s9 =	smul.u32 $0xF7A, s1;
	s8 =	simm.s32 @!p0 $0x1BF5;
	p2 =	por !p2, p0  }
0x20: {  	[sflag:s8] =	ssyncset.s32 @!p0 $0xFFFFF086;
	s6 =	sadd.s32 @!p0 s3, s7;
	s7 =	simm.s32 @!p0 $0x108  }
0x21: {  	s3 =	sadd.s32 s3, s9;
	s6 =	sadd.s32 @!p0 $0x88, s6;
	s7 =	simm.s32 @p2 $0x1082  }
0x22: {  	[simem:s7], [sflag:s8] =	dma.local @!p0 [hbm:s6], $0xF7A  }
0x23: {  	s9 =	sor.u32 $0xD0000000, s2;
	s6 =	simm.s32 $0x108;
	_ =	swait.ge @!p0 [sflag:s8], $0x0  }
0x24: {  	s3 =	sadd.s32 $0x88, s3;
	s6 =	simm.s32 @!p1 $0x1082;
	[sflag:s4] =	ssyncset.s32 $0xFFFFF086  }
0x25: {  	[simem:s6], [sflag:s4] =	dma.local [hbm:s3], $0xF7A  }
0x26: {  	[smem:$0x3F9B] =	sst s1;
	(tag) =	ssettag s2;
	_ =	strace s9  }
0x27: {  	s1 =	sld [smem:$0x3FAB]  }
0x28: {  	s2 =	sld [smem:$0x3FAC]  }
0x29: {  	s4 =	sld [smem:$0x3FAE]  }
0x2a: {  	p0 =	seq.s32 s5, $0x0;
	s5 =	sld [smem:$0x3FAF]  }
0x2b: {  	s6 =	sld [smem:$0x3FB0]  }
0x2c: {  	s7 =	sld [smem:$0x3FB1]  }
0x2d: {  	s3 =	simm.s32 $0x108;
	s8 =	sld [smem:$0x3FB2]  }
0x2e: {  	s3 =	simm.s32 @!p0 $0x1082;
	s9 =	sld [smem:$0x3FB3]  }
0x2f: {  	lr =	sadd.s32 s0, s3;
	s0 =	sld [smem:$0x3FAA]  }
0x30: {  	s3 =	sld [smem:$0x3FAD]  }
0x31: {  	[smem:$0x3FB6] =	sst s10  }
0x32: {  	s10 =	sld [smem:$0x3FB4];
	_ =	sdelay $0x3  }
0x33: {  	p0 =	seq.s32 s10, $0x1;
	s10 =	sld [smem:$0x3FB6];
	_ =	sdelay $0x3  }
0x34: {  	[smem:$0x3FB6] =	sst s10  }
0x35: {  	s10 =	sld [smem:$0x3FB5];
	_ =	sdelay $0x3  }
0x36: {  	p1 =	seq.s32 s10, $0x1;
	s10 =	sld [smem:$0x3FB6];
	_ =	sdelay $0x3  }
0x37: {  	[smem:$0x3FB6] =	sst s10  }
0x38: {  	s10 =	sld [smem:$0x3FB7]  }
0x39: {  	_ = 	snop;
	(pc) =	sbr.ind lr, $3  }
0x3a: {  	_ = 	snop  }
0x3b: {  	_ = 	snop  }
0x3c: {  	p2 =	seq.s32 s10, $0x1;
	s10 =	sld [smem:$0x3FB6]  }
0x3d: {  	_ =	shalt  }
0x3e: {  	_ =	shalt  }
0x3f: {  	_ =	shalt  }
0x40: {  	_ =	shalt  }
0x41: {  	_ =	shalt  }
0x42: {  	_ =	shalt  }
0x43: {  	_ =	shalt  }
0x44: {  	_ =	shalt  }
0x45: {  	_ =	shalt  }
0x46: {  	_ =	shalt  }
0x47: {  	_ =	shalt  }
0x48: {  	_ =	shalt  }
0x49: {  	_ =	shalt  }
0x4a: {  	_ =	shalt  }
0x4b: {  	_ =	shalt  }
0x4c: {  	_ =	shalt  }
0x4d: {  	_ =	shalt  }
0x4e: {  	_ =	shalt  }
0x4f: {  	_ =	shalt  }
0x50: {  	_ =	shalt  }
0x51: {  	_ =	shalt  }
0x52: {  	_ =	shalt  }
0x53: {  	_ =	shalt  }
0x54: {  	_ =	shalt  }
0x55: {  	_ =	shalt  }
0x56: {  	_ =	shalt  }
0x57: {  	_ =	shalt  }
0x58: {  	_ =	shalt  }
0x59: {  	_ =	shalt  }
0x5a: {  	_ =	shalt  }
0x5b: {  	_ =	shalt  }
0x5c: {  	_ =	shalt  }
0x5d: {  	_ =	shalt  }
0x5e: {  	_ =	shalt  }
0x5f: {  	_ =	shalt  }
0x60: {  	_ =	shalt  }
0x61: {  	_ =	shalt  }
0x62: {  	_ =	shalt  }
0x63: {  	_ =	shalt  }
0x64: {  	_ =	shalt  }
0x65: {  	_ =	shalt  }
0x66: {  	_ =	shalt  }
0x67: {  	_ =	shalt  }
0x68: {  	_ =	shalt  }
0x69: {  	_ =	shalt  }
0x6a: {  	_ =	shalt  }
0x6b: {  	_ =	shalt  }
0x6c: {  	_ =	shalt  }
0x6d: {  	_ =	shalt  }
0x6e: {  	_ =	shalt  }
0x6f: {  	_ =	shalt  }
0x70: {  	_ =	shalt  }
0x71: {  	_ =	shalt  }
0x72: {  	_ =	shalt  }
0x73: {  	_ =	shalt  }
0x74: {  	_ =	shalt  }
0x75: {  	_ =	shalt  }
0x76: {  	_ =	shalt  }
0x77: {  	_ =	shalt  }
0x78: {  	_ =	shalt  }
0x79: {  	_ =	shalt  }
0x7a: {  	_ =	shalt  }
0x7b: {  	_ =	shalt  }
0x7c: {  	_ =	shalt  }
0x7d: {  	_ =	shalt  }
0x7e: {  	_ =	shalt  }
0x7f: {  	_ =	shalt  }
0x80: {  	_ =	shalt  }
0x81: {  	_ =	shalt  }
0x82: {  	_ =	shalt  }
0x83: {  	_ =	shalt  }
0x84: {  	_ =	shalt  }
0x85: {  	_ =	shalt  }
0x86: {  	_ =	shalt  }
0x87: {  	_ =	shalt  }
.Lfunc_end0:
.L_simem_size_0:
called_computation_lowered:
.L_overlay_start_0:
0x88: {  	s2 =	sld [smem:$0x3FD9]  }
0x89: {  	s3 =	sld [smem:$0x3FFE];
	_ =	sdelay $0x1  }
0x8a: {  	s1 =	srdreg.scid  }
0x8b: {  	s0 =	sand.u32 $0x1, s1  }
0x8c: {  	s17 =	sshll.u32 s0, $0xA;
	s2 =	sadd.s32 s3, s2  }
0x8d: {  	s2 =	sadd.s32 s2, s17  }
0x8e: {  	[smem:$0x3FC2] =	sst s2  }
0x8f: {  	_ = 	snop  }
0x90: {  	s2 =	sld [smem:$0x3FD0];
	(tm) =	ssettm $0x1  }
0x91: {  	s18 =	sld [smem:$0x3FFB];
	_ =	sdelay $0x3  }
0x92: {  	_ =	strace s18  }
0x93: {  	s3 =	sld [smem:$0x3FFC];
	_ =	sdelay $0x3  }
0x94: {  	_ =	strace s3  }
0x95: {  	s3 =	sld [smem:$0x3FFD];
	_ =	sdelay $0x3  }
0x96: {  	_ =	strace s3  }
0x97: {  	_ =	strace $0x8FFFFFFF  }
0x98: {  	s19 =	sld [smem:$0x3FDB];
	_ =	sdelay $0x1  }
0x99: {  	s4 =	simm.s32 $_scs_section_size  }
0x9a: {  	s5 =	simm.s32 $_size__tile_overlayer_lowered;
	s6 =	simm.s32 $_tile_overlayer_lowered  }
0x9b: {  	s22 =	simm.s32 $0x1BFF;
	s21 =	sshll.u32 s6, $0x1;
	s3 =	sadd.s32 s4, s19  }
0x9c: {  	s7 =	simm.s32 $0x0;
	s20 =	sshll.u32 s5, $0x1;
	s5 =	sadd.s32 s21, s3  }
0x9d: {  	[timem:s7], [sflag:s22] =	dma.local [hbm:s5], s20  }
0x9e: {  	_ =	swait.ge [sflag:s22], s20  }
0x9f: {  	s4 =	ssub.s32 $0x0, s20;
	[sflag:s22] =	ssyncset.done $0x0  }
0xa0: {  	[sflag:s22] =	ssyncadd.s32 s4;
	_ =	sdelay $0x1  }
0xa1: {  	s23 =	simm.s32 $0x1B8B  }
0xa2: {  	_ =	swait.ge [sflag:s23], $0x1  }
0xa3: {  	[sflag:s23] =	ssyncset.done $0x0  }
0xa4: {  	s25 =	simm.s32 $0x1B8E;
	s24 =	sld [smem:$0x3FFE];
	[sflag:s23] =	ssyncadd.s32 $0xFFFFFFFF  }
0xa5: {  	s26 =	simm.s32 $execute0_lowered;
	[smem:$0x3FD2] =	sst s25  }
0xa6: {  	s5 =	sshll.u32 s26, $0x1;
	_ =	strace $0x80000046;
	[dreg:$0x1] =	wrdreg $0xFFFFFFFF  }
0xa7: {  	s28 =	simm.s32 $_size_execute0_lowered;
	s3 =	sadd.s32 s3, s5;
	[dreg:$0x0] =	wrdreg $0x0  }
0xa8: {  	s5 =	sshll.u32 s28, $0x1;
	[dreg:$0x2] =	wrdreg s3  }
0xa9: {  	[dreg:$0x3] =	wrdreg s5  }
0xaa: {  	[dreg:$0x4] =	wrdreg $0xC0  }
0xab: {  	_ =	task [dreg:s7], $0x5FFFF  }
0xac: {  	[dreg:$0x1] =	wrdreg $0xFFFFFFFF  }
0xad: {  	[dreg:$0x0] =	wrdreg $0x60  }
0xae: {  	[dreg:$0x2] =	wrdreg s24  }
0xaf: {  	[dreg:$0x3] =	wrdreg s2  }
0xb0: {  	[dreg:$0x4] =	wrdreg $0x54000  }
0xb1: {  	[dreg:$0x5] =	wrdreg $0x9  }
0xb2: {  	_ =	task.clear_ibuf [dreg:s7], $0x6FFFF;
	_ =	strace $0x90000046  }
0xb3: {  	s29 =	simm.s32 $0x9;
	_ =	strace $0x80000048  }
0xb4: {  	_ =	swait.ge [sflag:s29], $0x1  }
0xb5: {  	[sflag:s29] =	ssyncadd.s32 $0xFFFFFFFF  }
0xb6: {  	_ =	strace $0x90000048  }
0xb7: {  	_ =	sfence  }
0xb8: {  	s30 =	sld [smem:$0x0];
	_ =	sdelay $0x2  }
0xb9: {  	s31 =	sshll.u32 s1, $0xD;
	s1 =	sshrl.u32 s1, $0x2  }
0xba: {  	s3 =	sand.u32 $0x4000, s31;
	s1 =	sadd.s32 s1, s30  }
0xbb: {  	s0 =	sor.u32 s3, s0;
	s1 =	sshll.u32 s1, $0x11  }
0xbc: {  	s0 =	sor.u32 s1, s0  }
0xbd: {  	s0 =	sadd.s32 $0x8F2B, s0  }
0xbe: {  	[sflag:s0] =	ssyncadd.remote.s32 $0x1  }
0xbf: {  	_ =	sfence.sel $0xFFFF  }
0xc0: {  	[dreg:$0x0] =	wrdreg $0xFFFFFFFF;
	(pc) =	sbr.abs _section_cstart, $3  }
0xc1: {  	[dreg:$0x1] =	wrdreg $0xFFFFFFFF  }
0xc2: {  	_ =	task.clear_ibuf [dreg:s7], $0x2FFFF;
	_ =	strace $0x9FFFFFFF  }
0xc3: {  	(tm) =	ssettm $0x7FFFFFFF  }
tec
execute0_lowered:
.L_overlay_start_1:
0x0: {  	(tag) =	ssettag $0x1  }
0x1: {  	s5 =	rddreg [dreg:$0x0]  }
0x2: {  	s1 =	srdreg.scid;
	s2 =	rddreg [dreg:$0x1]  }
0x3: {  	s0 =	stileid.u32;
	s3 =	rddreg [dreg:$0x2];
	s4 =	simm.s32 $0x0  }
0x4: {  	s13 =	simm.s32 $0x80;
	s14 =	simm.s32 $0x1;
	s15 =	simm.s32 $0x0  }
0x5: {  	s6 =	sand.u32 $0x1, s1;
	s26 =	sshll.u32 s0, $0x1;
	s8 =	smul.u32 $0x14000, s0  }
0x6: {  	[smem:$0x7FF] =	sst s4;
	s28 =	smul.u32 $0x50000, s0;
	s31 =	sshll.u32 s0, $0x6  }
0x7: {  	s1 =	sor.u32 s6, s26;
	s9 =	smul.u32 $0x140000, s6;
	s6 =	ssub.s32 $0x2, s6  }
0x8: {  	s7 =	smul.u32 $0x280, s1;
	s1 =	rddreg [dreg:$0x3];
	_ =	strace $0x80000047  }
0x9: {  	s10 =	sshrl.u32 s8, $0x3;
	s29 =	sshrl.u32 s6, $0x1;
	s30 =	sshrl.u32 s28, $0x2  }
0xa: {  	s8 =	sadd.s32 s8, s9;
	s10 =	sadd.s32 s10, s5;
	s11 =	ssub.s32 s6, s29  }
0xb: {  	s12 =	sadd.s32 s30, s3;
	s6 =	sor.u32 $0x1C02, s31;
	s7 =	sadd.s32 s7, s5  }
0xc: {  	s8 =	sshrl.u32 s8, $0x3;
	s9 =	smax.u32 s11, $0x1;
	s11 =	simm.s32 $0x2  }
0xd: {  	s8 =	sadd.s32 s8, s5;
	s5 =	sadd.s32 $0xB600, s10;
	s7 =	sadd.s32 $0x1600, s7  }
0xe: {  	s10 =	sshrl.u32 s12, $0x3;
	s12 =	simm.s32 $0x1400;
	s8 =	sadd.s32 $0x33600, s8  }
.LBB2_1:
0xf: {  	[spmem:s10], [sflag:s6] =	dma.local [hbm:s5], $0x2800  }
0x10: {  	_ =	swait.ge [sflag:s11], $0x2800  }
0x11: {  	[sflag:s11] =	ssyncset.done $0x0  }
0x12: {  	[sflag:s11] =	ssyncadd.s32 $0xFFFFD800  }
0x13: {  	[tilespmem:s12], [sflag:$0x2] =	stream.linear.gather [hbm4b:s2+s4], $0x4000, $0x38;
	[tilespmem:$0x19400] =	vst v63  }
0x14: {  	_ =	swait.ge [sflag:s11], $0x4000  }
0x15: {  	[sflag:s11] =	ssyncset.done $0x0  }
0x16: {  	[sflag:s11] =	ssyncadd.s32 $0xFFFFC000  }
0x17: {  	[tilespmem:s4], [sflag:$0x2] =	stream.linear.gather [hbm4b:s7+s4], $0x1400, $0x38;
	[tilespmem:$0x19400] =	vst v63  }
0x18: {  	_ =	swait.ge [sflag:s11], $0x1400  }
0x19: {  	[sflag:s11] =	ssyncset.done $0x0  }
0x1a: {  	[sflag:s11] =	ssyncadd.s32 $0xFFFFEC00  }
0x1b: {  	[bflag:$0x0] =	sbarrier.arrive $0xFFFF  }
0x1c: {  	[spmem:s3] =	stream.indirect.scatter.add.f32 [tilespmem:s12], [sflag:$0x1], $0x80, s4, s13, $0xb8;
	[tilespmem:$0x19400] =	vst v63  }
0x1d: {  	_ = 	snop  }
0x1e: {  	[spmem:s3] =	stream.indirect.scatter.add.f32 [tilespmem:s12], [sflag:$0x1], $0x80, s13, s13, $0xb8;
	[tilespmem:$0x19400] =	vst v63  }
0x1f: {  	s16 =	simm.s32 $0x100  }
0x20: {  	[spmem:s3] =	stream.indirect.scatter.add.f32 [tilespmem:s12], [sflag:$0x1], $0x80, s16, s13, $0xb8;
	[tilespmem:$0x19400] =	vst v63  }
0x21: {  	_ =	swait.ge [sflag:s14], $0x4000  }
0x22: {  	s16 =	simm.s32 $0x600;
	[sflag:s14] =	ssyncset.done $0x0  }
.LBB2_2:
0x23: {  	s17 =	sshra.s32 s16, $0x2;
	[sflag:s14] =	ssyncadd.s32 $0xFFFFC000;
	p0 =	sne.s32 s16, $0x4E00  }
0x24: {  	[spmem:s3] =	stream.indirect.scatter.add.f32 [tilespmem:s12], [sflag:$0x1], $0x80, s17, s13, $0xb8;
	[tilespmem:$0x19400] =	vst v63  }
.Ltmp0:
0x25: {  	_ = 	snop;
	(pc) =	sbr.rel @p0 .LBB2_2-.Ltmp0, $4  }
0x26: {  	_ = 	snop  }
0x27: {  	s16 =	sadd.s32 $0x200, s16  }
0x28: {  	_ =	swait.ge [sflag:s14], $0x4000  }
0x29: {  	[sflag:s14] =	ssyncset.done $0x0  }
0x2a: {  	[sflag:s14] =	ssyncadd.s32 $0xFFFFC000  }
0x2b: {  	_ =	swait.ge [sflag:s14], $0x4000  }
0x2c: {  	[sflag:s14] =	ssyncset.done $0x0  }
0x2d: {  	[sflag:s14] =	ssyncadd.s32 $0xFFFFC000  }
0x2e: {  	_ =	swait.ge [sflag:s14], $0x4000  }
0x2f: {  	s15 =	sadd.s32 $0x1, s15;
	[sflag:s14] =	ssyncset.done $0x0  }
0x30: {  	p0 =	sne.s32 s15, s9;
	[sflag:s14] =	ssyncadd.s32 $0xFFFFC000  }
.Ltmp1:
0x31: {  	[bflag:$0x0] =	sbarrier.arrive $0xFFFF;
	(pc) =	sbr.rel @p0 .LBB2_1-.Ltmp1, $4  }
0x32: {  	[hbm:s8], [sflag:s6] =	dma.local [spmem:s10], $0x2800  }
0x33: {  	_ =	swait.ge [sflag:s11], $0x2800  }
0x34: {  	[sflag:s11] =	ssyncset.done $0x0  }
0x35: {  	[sflag:s11] =	ssyncadd.s32 $0xFFFFD800  }
0x36: {  	_ =	sfence.sel $0x180000  }
0x37: {  	[bflag:$0x0] =	sbarrier.arrive $0xFFFF  }
0x38: {  	p0 =	sne.s32 s0, $0x0;
	_ =	strace $0x90000047  }
0x39: {  	s0 =	sadd.s32 @!p0 $0x100000, s1;
	[bflag:$0x2] =	sbarrier.arrive $0xFFFF  }
0x3a: {  	[sflag:s0] =	ssyncadd.tile.s32 @!p0 $0x1;
	_ =	shalt  }
.Lfunc_end2:
_tile_overlayer_lowered:
.L_overlay_start_2:
0x3b: {  	(tag) =	ssettag $0x2  }
0x3c: {  	s0 =	rddreg [dreg:$0x0];
	s2 =	stileid.u32  }
0x3d: {  	s1 =	rddreg [dreg:$0x1];
	p0 =	sne.s32 s2, $0x0  }
0x3e: {  	s3 =	rddreg [dreg:$0x2];
	[bflag:$0x3] =	sbarrier.arrive $0xFFFF;
	s2 =	simm.s32 @!p0 $0x1C02  }
0x3f: {  	[timem:s3], [sflag:s2] =	dma.local @!p0 [hbm:s0], s1  }
0x40: {  	s0 =	simm.s32 @!p0 $0x2  }
0x41: {  	_ =	swait.ge @!p0 [sflag:s0], s1  }
0x42: {  	s1 =	ssub.s32 @!p0 $0x0, s1;
	[sflag:s0] =	ssyncset.done @!p0 $0x0  }
0x43: {  	[sflag:s0] =	ssyncadd.s32 @!p0 s1  }
0x44: {  	[bflag:$0x3] =	sbarrier.arrive $0xFFFF  }
0x45: {  	_ =	shalt  }

</sc_bundles>
